<compile_context>
chip_gen: v7x
topology: tpu7x:2x2x1
jax: 0.10.2.dev20260603
libtpu: 0.0.44.dev20260713+nightly
codegen_flags: <defaults>
</compile_context>

<pallas_src>
import functools

import jax
import jax.numpy as jnp
import numpy as np
from jax import lax
from jax.experimental import pallas as pl
from jax.experimental.pallas import tpu as pltpu
from jax.experimental.pallas import tpu_sc as plsc

_EMBED = 128
_LANES = 16
_NUM_WORKERS = 32
_DEPTH = 4


def _make_pe(maxlen: int, d: int) -> np.ndarray:
    pe = np.zeros((maxlen, d), dtype=np.float32)
    position = np.arange(0, maxlen)[:, np.newaxis]
    div_term = np.exp(np.arange(0, d, 2) * -(np.log(10000.0) / d))
    pe[:, 0::2] = np.sin(position * div_term)
    pe[:, 1::2] = np.cos(position * div_term)
    return pe


@functools.partial(jax.jit, static_argnums=(2, 3))
def _embed_fixed(x_flat, w, b, l):
    d = w.shape[1]
    n = b * l
    rows_per_w = n // _NUM_WORKERS
    seq_per_w = b // _NUM_WORKERS
    chunks = [(0, 128), (128, l - 128)] if l > 128 else [(0, l)]
    nc = len(chunks)
    pe = jnp.asarray(_make_pe(l, d))
    assert seq_per_w % _DEPTH == 0

    mesh = plsc.VectorSubcoreMesh(core_axis_name="c", subcore_axis_name="s")

    @functools.partial(
        pl.kernel,
        out_type=jax.ShapeDtypeStruct((n, d), jnp.float32),
        mesh=mesh,
        scratch_types=[
            pltpu.VMEM((l, d), jnp.float32),
            [pltpu.VMEM((l,), jnp.int32) for _ in range(_DEPTH)],
            [pltpu.VMEM((l, d), jnp.float32) for _ in range(_DEPTH)],
            [pltpu.SemaphoreType.DMA for _ in range(_DEPTH)],
            [[pltpu.SemaphoreType.DMA for _ in chunks] for _ in range(_DEPTH)],
            [pltpu.SemaphoreType.DMA for _ in range(_DEPTH)],
        ],
    )
    def run(x_hbm, pe_hbm, w_hbm, out_hbm,
            pe_v, idxs, bufs, isems, gsems, ssems):
        wid = lax.axis_index("s") * 2 + lax.axis_index("c")
        base = wid * rows_per_w
        pltpu.sync_copy(pe_hbm, pe_v)

        def idx_desc(s, p):
            return pltpu.make_async_copy(
                x_hbm.at[pl.ds(base + s * l, l)], idxs[p], isems[p]
            )

        def gather_desc(p, ci, add=False):
            off, sz = chunks[ci]
            if add:
                pltpu.async_copy(
                    w_hbm.at[idxs[p].at[pl.ds(off, sz)]],
                    bufs[p].at[pl.ds(off, sz)],
                    gsems[p][ci],
                    add=True,
                )
                return None
            return pltpu.make_async_copy(
                w_hbm.at[idxs[p].at[pl.ds(off, sz)]],
                bufs[p].at[pl.ds(off, sz)],
                gsems[p][ci],
            )

        def store_desc(s, p):
            return pltpu.make_async_copy(
                bufs[p], out_hbm.at[pl.ds(base + s * l, l)], ssems[p]
            )

        def refill_and_gather(s, p):
            idx_desc(s, p).start()
            buf = bufs[p]

            @pl.loop(0, l)
            def _row(r):
                for j in range(d // _LANES):
                    c = pl.ds(j * _LANES, _LANES)
                    buf[r, c] = pe_v[r, c]

            idx_desc(s, p).wait()
            for ci in range(nc):
                gather_desc(p, ci, add=True)

        def drain(s, p):
            for ci in range(nc):
                gather_desc(p, ci).wait()
            store_desc(s, p).start()

        @pl.loop(0, seq_per_w // _DEPTH)
        def _grp(g):
            for p in range(_DEPTH):
                s = g * _DEPTH + p

                @pl.when(g > 0)
                def _():
                    store_desc(s - _DEPTH, p).wait()

                refill_and_gather(s, p)

                q = (p - 1) % _DEPTH
                if p >= 1:
                    drain(s - 1, q)
                else:

                    @pl.when(g > 0)
                    def _():
                        drain(s - 1, q)

        last = seq_per_w - 1
        drain(last, _DEPTH - 1)
        for p in range(_DEPTH):
            store_desc(seq_per_w - _DEPTH + p, p).wait()

    return run(x_flat, pe, w)


def kernel(x, W):
    b, l = x.shape
    d = W.shape[1]
    out = _embed_fixed(x.reshape(b * l), W, b, l)
    return out.reshape(b, l, d)

# --- scband reference (transcript-rebuilt; emitter-appended) ---
"""Pipeline reference for scband-embedding-fixed-9208409883126 (READ-ONLY COPY).

The authoritative reference and input builder live on the scoring server;
editing this copy changes nothing except your own understanding.
"""

import jax, jax.numpy as jnp
import numpy as np

VOCAB = 100000
EMBED = 128
MAXLEN = 512
B = 1024
L = 200


def make_pe():
    pe = np.zeros((MAXLEN, EMBED), dtype=np.float32)
    position = np.arange(0, MAXLEN)[:, np.newaxis]
    div_term = np.exp(np.arange(0, EMBED, 2) * -(np.log(10000.0) / EMBED))
    pe[:, 0::2] = np.sin(position * div_term)
    pe[:, 1::2] = np.cos(position * div_term)
    return jnp.asarray(pe[np.newaxis, :, :])


def setup_inputs(seed: int = 0) -> dict:
    key = jax.random.key(seed)
    k1, k2 = jax.random.split(key)
    x = jax.random.randint(k1, (B, L), 0, VOCAB, dtype=jnp.int32)
    # learned word-embedding table (flax nn.Embed param), small-variance init
    W = jax.random.normal(k2, (VOCAB, EMBED), dtype=jnp.float32) * 0.02
    return {"x": x, "W": W}


def reference(x, W):
    pe = make_pe()
    word_embedding = jnp.take(W, x, axis=0)
    positional_embedding = pe[:, 0 : x.shape[1], :]
    return word_embedding + positional_embedding

if __name__ == "__main__":
    import jax
    _d = setup_inputs()
    print(jax.jit(kernel)(*tuple(_d.values())))

</pallas_src>

<mosaic_0001>
#map = affine_map<(d0, d1) -> (0)>
#map1 = affine_map<(d0, d1) -> (0, 0)>
module attributes {stable_mosaic.version = 14 : i64} {
  func.func @run(%arg0: i32, %arg1: i32, %arg2: memref<204800xi32, #tpu.memory_space<hbm>>, %arg3: memref<200x128xf32, #tpu.memory_space<hbm>>, %arg4: memref<100000x128xf32, #tpu.memory_space<hbm>>, %arg5: memref<204800x128xf32, #tpu.memory_space<hbm>>, %arg6: memref<200x128xf32, #tpu.memory_space<vmem>>, %arg7: memref<200xi32, #tpu.memory_space<vmem>>, %arg8: memref<200xi32, #tpu.memory_space<vmem>>, %arg9: memref<200xi32, #tpu.memory_space<vmem>>, %arg10: memref<200xi32, #tpu.memory_space<vmem>>, %arg11: memref<200x128xf32, #tpu.memory_space<vmem>>, %arg12: memref<200x128xf32, #tpu.memory_space<vmem>>, %arg13: memref<200x128xf32, #tpu.memory_space<vmem>>, %arg14: memref<200x128xf32, #tpu.memory_space<vmem>>, %arg15: memref<!tpu.dma_semaphore, #tpu.memory_space<semaphore_mem>>, %arg16: memref<!tpu.dma_semaphore, #tpu.memory_space<semaphore_mem>>, %arg17: memref<!tpu.dma_semaphore, #tpu.memory_space<semaphore_mem>>, %arg18: memref<!tpu.dma_semaphore, #tpu.memory_space<semaphore_mem>>, %arg19: memref<!tpu.dma_semaphore, #tpu.memory_space<semaphore_mem>>, %arg20: memref<!tpu.dma_semaphore, #tpu.memory_space<semaphore_mem>>, %arg21: memref<!tpu.dma_semaphore, #tpu.memory_space<semaphore_mem>>, %arg22: memref<!tpu.dma_semaphore, #tpu.memory_space<semaphore_mem>>, %arg23: memref<!tpu.dma_semaphore, #tpu.memory_space<semaphore_mem>>, %arg24: memref<!tpu.dma_semaphore, #tpu.memory_space<semaphore_mem>>, %arg25: memref<!tpu.dma_semaphore, #tpu.memory_space<semaphore_mem>>, %arg26: memref<!tpu.dma_semaphore, #tpu.memory_space<semaphore_mem>>, %arg27: memref<!tpu.dma_semaphore, #tpu.memory_space<semaphore_mem>>, %arg28: memref<!tpu.dma_semaphore, #tpu.memory_space<semaphore_mem>>, %arg29: memref<!tpu.dma_semaphore, #tpu.memory_space<semaphore_mem>>, %arg30: memref<!tpu.dma_semaphore, #tpu.memory_space<semaphore_mem>>) attributes {dimension_semantics = [#tpu.dimension_semantics<core_parallel>, #tpu.dimension_semantics<subcore_parallel>], iteration_bounds = array<i64: 2, 16>, scalar_prefetch = 0 : i64, scratch_operands = 25 : i64, tpu.core_type = #tpu.core_type<sc_vector_subcore>, window_params = [{transform_indices = #map}, {transform_indices = #map1}, {transform_indices = #map1}, {transform_indices = #map1}]} {
    %mul3A = arith.constant 2 : i32
    %mul3A_0 = arith.muli %arg1, %mul3A : i32
    %add3A = arith.addi %mul3A_0, %arg0 : i32
    %mul3A_1 = arith.constant 6400 : i32
    %mul3A_2 = arith.muli %add3A, %mul3A_1 : i32
    "tpu.region"() ({
      %run_scoped3A = tpu.sem_alloc : memref<!tpu.dma_semaphore, #tpu.memory_space<semaphore_mem>>
      tpu.enqueue_dma source(%arg3 : memref<200x128xf32, #tpu.memory_space<hbm>>) target(%arg6 : memref<200x128xf32, #tpu.memory_space<vmem>>) target_semaphore(%run_scoped3A : memref<!tpu.dma_semaphore, #tpu.memory_space<semaphore_mem>>)
      tpu.wait_dma2 semaphore(%run_scoped3A : memref<!tpu.dma_semaphore, #tpu.memory_space<semaphore_mem>>) src(%arg3 : memref<200x128xf32, #tpu.memory_space<hbm>>) dst(%arg6 : memref<200x128xf32, #tpu.memory_space<vmem>>)
      tpu.yield
    }) : () -> ()
    %scan3A = arith.constant 0 : i32
    %scan3A_3 = arith.constant 8 : i32
    %scan3A_4 = arith.addi %scan3A, %scan3A_3 : i32
    %scan3A_5 = arith.constant 1 : i32
    scf.for %scan3A_51 = %scan3A to %scan3A_4 step %scan3A_5  : i32 {
      %mul3A_52 = arith.constant 1 : i32
      %mul3A_53 = arith.muli %scan3A_51, %mul3A_52 : i32
      %add3A_54 = arith.constant 0 : i32
      %add3A_55 = arith.addi %add3A_54, %mul3A_53 : i32
      %mul3A_56 = arith.constant 4 : i32
      %mul3A_57 = arith.muli %add3A_55, %mul3A_56 : i32
      %add3A_58 = arith.constant 0 : i32
      %add3A_59 = arith.addi %mul3A_57, %add3A_58 : i32
      %gt3A = arith.constant 0 : i32
      %gt3A_60 = arith.cmpi sgt, %add3A_55, %gt3A : i32
      %convert_element_type3A = arith.extui %gt3A_60 : i1 to i32
      %cond3A = arith.constant 0 : i32
      %cond3A_61 = arith.cmpi ne, %convert_element_type3A, %cond3A : i32
      scf.if %cond3A_61 {
        %sub3A_292 = arith.constant 4 : i32
        %sub3A_293 = arith.subi %add3A_59, %sub3A_292 : i32
        %mul3A_294 = arith.constant 200 : i32
        %mul3A_295 = arith.muli %sub3A_293, %mul3A_294 : i32
        %add3A_296 = arith.addi %mul3A_2, %mul3A_295 : i32
        %dma_wait3A_297 = arith.constant 0 : i32
        %dma_wait3A_298 = tpu.memref_slice %arg5[%add3A_296, %dma_wait3A_297] : memref<204800x128xf32, #tpu.memory_space<hbm>> -> memref<200x128xf32, #tpu.memory_space<hbm>>
        %dma_wait3A_299 = arith.constant 0 : i32
        %dma_wait3A_300 = tpu.memref_slice %arg5[%add3A_296, %dma_wait3A_299] : memref<204800x128xf32, #tpu.memory_space<hbm>> -> memref<200x128xf32, #tpu.memory_space<hbm>>
        tpu.wait_dma2 semaphore(%arg27 : memref<!tpu.dma_semaphore, #tpu.memory_space<semaphore_mem>>) src(%arg11 : memref<200x128xf32, #tpu.memory_space<vmem>>) dst(%dma_wait3A_300 : memref<200x128xf32, #tpu.memory_space<hbm>>)
      } else {
      }
      %mul3A_62 = arith.constant 200 : i32
      %mul3A_63 = arith.muli %add3A_59, %mul3A_62 : i32
      %add3A_64 = arith.addi %mul3A_2, %mul3A_63 : i32
      %dma_start3A_65 = tpu.memref_slice %arg2[%add3A_64] : memref<204800xi32, #tpu.memory_space<hbm>> -> memref<200xi32, #tpu.memory_space<hbm>>
      %dma_start3A_66 = tpu.memref_slice %arg2[%add3A_64] : memref<204800xi32, #tpu.memory_space<hbm>> -> memref<200xi32, #tpu.memory_space<hbm>>
      tpu.enqueue_dma source(%dma_start3A_66 : memref<200xi32, #tpu.memory_space<hbm>>) target(%arg7 : memref<200xi32, #tpu.memory_space<vmem>>) target_semaphore(%arg15 : memref<!tpu.dma_semaphore, #tpu.memory_space<semaphore_mem>>)
      %scan3A_67 = arith.constant 0 : i32
      %scan3A_68 = arith.constant 200 : i32
      %scan3A_69 = arith.addi %scan3A_67, %scan3A_68 : i32
      %scan3A_70 = arith.constant 1 : i32
      scf.for %scan3A_292 = %scan3A_67 to %scan3A_69 step %scan3A_70  : i32 {
        %mul3A_293 = arith.constant 1 : i32
        %mul3A_294 = arith.muli %scan3A_292, %mul3A_293 : i32
        %add3A_295 = arith.constant 0 : i32
        %add3A_296 = arith.addi %add3A_295, %mul3A_294 : i32
        %get3A = arith.index_cast %add3A_296 : i32 to index
        %get3A_297 = arith.constant 0 : index
        %get3A_298 = tpu.vector_load %arg6[%get3A, %get3A_297] {strides = array<i32>} : memref<200x128xf32, #tpu.memory_space<vmem>>, vector<1x16xf32>,
        %get3A_299 = vector.shape_cast %get3A_298 : vector<1x16xf32> to vector<16xf32>
        %swap3A = arith.index_cast %add3A_296 : i32 to index
        %swap3A_300 = arith.constant 0 : index
        %swap3A_301 = tpu.vector_load %arg11[%swap3A, %swap3A_300] {strides = array<i32>} : memref<200x128xf32, #tpu.memory_space<vmem>>, vector<1x16xf32>,
        %swap3A_302 = vector.shape_cast %swap3A_301 : vector<1x16xf32> to vector<16xf32>
        %swap3A_303 = vector.shape_cast %get3A_299 : vector<16xf32> to vector<1x16xf32>
        tpu.vector_store %arg11[%swap3A, %swap3A_300], %swap3A_303 {strides = array<i32>} : memref<200x128xf32, #tpu.memory_space<vmem>>, vector<1x16xf32>,
        %get3A_304 = arith.index_cast %add3A_296 : i32 to index
        %get3A_305 = arith.constant 16 : index
        %get3A_306 = tpu.vector_load %arg6[%get3A_304, %get3A_305] {strides = array<i32>} : memref<200x128xf32, #tpu.memory_space<vmem>>, vector<1x16xf32>,
        %get3A_307 = vector.shape_cast %get3A_306 : vector<1x16xf32> to vector<16xf32>
        %swap3A_308 = arith.index_cast %add3A_296 : i32 to index
        %swap3A_309 = arith.constant 16 : index
        %swap3A_310 = tpu.vector_load %arg11[%swap3A_308, %swap3A_309] {strides = array<i32>} : memref<200x128xf32, #tpu.memory_space<vmem>>, vector<1x16xf32>,
        %swap3A_311 = vector.shape_cast %swap3A_310 : vector<1x16xf32> to vector<16xf32>
        %swap3A_312 = vector.shape_cast %get3A_307 : vector<16xf32> to vector<1x16xf32>
        tpu.vector_store %arg11[%swap3A_308, %swap3A_309], %swap3A_312 {strides = array<i32>} : memref<200x128xf32, #tpu.memory_space<vmem>>, vector<1x16xf32>,
        %get3A_313 = arith.index_cast %add3A_296 : i32 to index
        %get3A_314 = arith.constant 32 : index
        %get3A_315 = tpu.vector_load %arg6[%get3A_313, %get3A_314] {strides = array<i32>} : memref<200x128xf32, #tpu.memory_space<vmem>>, vector<1x16xf32>,
        %get3A_316 = vector.shape_cast %get3A_315 : vector<1x16xf32> to vector<16xf32>
        %swap3A_317 = arith.index_cast %add3A_296 : i32 to index
        %swap3A_318 = arith.constant 32 : index
        %swap3A_319 = tpu.vector_load %arg11[%swap3A_317, %swap3A_318] {strides = array<i32>} : memref<200x128xf32, #tpu.memory_space<vmem>>, vector<1x16xf32>,
        %swap3A_320 = vector.shape_cast %swap3A_319 : vector<1x16xf32> to vector<16xf32>
        %swap3A_321 = vector.shape_cast %get3A_316 : vector<16xf32> to vector<1x16xf32>
        tpu.vector_store %arg11[%swap3A_317, %swap3A_318], %swap3A_321 {strides = array<i32>} : memref<200x128xf32, #tpu.memory_space<vmem>>, vector<1x16xf32>,
        %get3A_322 = arith.index_cast %add3A_296 : i32 to index
        %get3A_323 = arith.constant 48 : index
        %get3A_324 = tpu.vector_load %arg6[%get3A_322, %get3A_323] {strides = array<i32>} : memref<200x128xf32, #tpu.memory_space<vmem>>, vector<1x16xf32>,
        %get3A_325 = vector.shape_cast %get3A_324 : vector<1x16xf32> to vector<16xf32>
        %swap3A_326 = arith.index_cast %add3A_296 : i32 to index
        %swap3A_327 = arith.constant 48 : index
        %swap3A_328 = tpu.vector_load %arg11[%swap3A_326, %swap3A_327] {strides = array<i32>} : memref<200x128xf32, #tpu.memory_space<vmem>>, vector<1x16xf32>,
        %swap3A_329 = vector.shape_cast %swap3A_328 : vector<1x16xf32> to vector<16xf32>
        %swap3A_330 = vector.shape_cast %get3A_325 : vector<16xf32> to vector<1x16xf32>
        tpu.vector_store %arg11[%swap3A_326, %swap3A_327], %swap3A_330 {strides = array<i32>} : memref<200x128xf32, #tpu.memory_space<vmem>>, vector<1x16xf32>,
        %get3A_331 = arith.index_cast %add3A_296 : i32 to index
        %get3A_332 = arith.constant 64 : index
        %get3A_333 = tpu.vector_load %arg6[%get3A_331, %get3A_332] {strides = array<i32>} : memref<200x128xf32, #tpu.memory_space<vmem>>, vector<1x16xf32>,
        %get3A_334 = vector.shape_cast %get3A_333 : vector<1x16xf32> to vector<16xf32>
        %swap3A_335 = arith.index_cast %add3A_296 : i32 to index
        %swap3A_336 = arith.constant 64 : index
        %swap3A_337 = tpu.vector_load %arg11[%swap3A_335, %swap3A_336] {strides = array<i32>} : memref<200x128xf32, #tpu.memory_space<vmem>>, vector<1x16xf32>,
        %swap3A_338 = vector.shape_cast %swap3A_337 : vector<1x16xf32> to vector<16xf32>
        %swap3A_339 = vector.shape_cast %get3A_334 : vector<16xf32> to vector<1x16xf32>
        tpu.vector_store %arg11[%swap3A_335, %swap3A_336], %swap3A_339 {strides = array<i32>} : memref<200x128xf32, #tpu.memory_space<vmem>>, vector<1x16xf32>,
        %get3A_340 = arith.index_cast %add3A_296 : i32 to index
        %get3A_341 = arith.constant 80 : index
        %get3A_342 = tpu.vector_load %arg6[%get3A_340, %get3A_341] {strides = array<i32>} : memref<200x128xf32, #tpu.memory_space<vmem>>, vector<1x16xf32>,
        %get3A_343 = vector.shape_cast %get3A_342 : vector<1x16xf32> to vector<16xf32>
        %swap3A_344 = arith.index_cast %add3A_296 : i32 to index
        %swap3A_345 = arith.constant 80 : index
        %swap3A_346 = tpu.vector_load %arg11[%swap3A_344, %swap3A_345] {strides = array<i32>} : memref<200x128xf32, #tpu.memory_space<vmem>>, vector<1x16xf32>,
        %swap3A_347 = vector.shape_cast %swap3A_346 : vector<1x16xf32> to vector<16xf32>
        %swap3A_348 = vector.shape_cast %get3A_343 : vector<16xf32> to vector<1x16xf32>
        tpu.vector_store %arg11[%swap3A_344, %swap3A_345], %swap3A_348 {strides = array<i32>} : memref<200x128xf32, #tpu.memory_space<vmem>>, vector<1x16xf32>,
        %get3A_349 = arith.index_cast %add3A_296 : i32 to index
        %get3A_350 = arith.constant 96 : index
        %get3A_351 = tpu.vector_load %arg6[%get3A_349, %get3A_350] {strides = array<i32>} : memref<200x128xf32, #tpu.memory_space<vmem>>, vector<1x16xf32>,
        %get3A_352 = vector.shape_cast %get3A_351 : vector<1x16xf32> to vector<16xf32>
        %swap3A_353 = arith.index_cast %add3A_296 : i32 to index
        %swap3A_354 = arith.constant 96 : index
        %swap3A_355 = tpu.vector_load %arg11[%swap3A_353, %swap3A_354] {strides = array<i32>} : memref<200x128xf32, #tpu.memory_space<vmem>>, vector<1x16xf32>,
        %swap3A_356 = vector.shape_cast %swap3A_355 : vector<1x16xf32> to vector<16xf32>
        %swap3A_357 = vector.shape_cast %get3A_352 : vector<16xf32> to vector<1x16xf32>
        tpu.vector_store %arg11[%swap3A_353, %swap3A_354], %swap3A_357 {strides = array<i32>} : memref<200x128xf32, #tpu.memory_space<vmem>>, vector<1x16xf32>,
        %get3A_358 = arith.index_cast %add3A_296 : i32 to index
        %get3A_359 = arith.constant 112 : index
        %get3A_360 = tpu.vector_load %arg6[%get3A_358, %get3A_359] {strides = array<i32>} : memref<200x128xf32, #tpu.memory_space<vmem>>, vector<1x16xf32>,
        %get3A_361 = vector.shape_cast %get3A_360 : vector<1x16xf32> to vector<16xf32>
        %swap3A_362 = arith.index_cast %add3A_296 : i32 to index
        %swap3A_363 = arith.constant 112 : index
        %swap3A_364 = tpu.vector_load %arg11[%swap3A_362, %swap3A_363] {strides = array<i32>} : memref<200x128xf32, #tpu.memory_space<vmem>>, vector<1x16xf32>,
        %swap3A_365 = vector.shape_cast %swap3A_364 : vector<1x16xf32> to vector<16xf32>
        %swap3A_366 = vector.shape_cast %get3A_361 : vector<16xf32> to vector<1x16xf32>
        tpu.vector_store %arg11[%swap3A_362, %swap3A_363], %swap3A_366 {strides = array<i32>} : memref<200x128xf32, #tpu.memory_space<vmem>>, vector<1x16xf32>,
      }
      %scan3A_71 = arith.constant 200 : i32
      %mul3A_72 = arith.constant 200 : i32
      %mul3A_73 = arith.muli %add3A_59, %mul3A_72 : i32
      %add3A_74 = arith.addi %mul3A_2, %mul3A_73 : i32
      %dma_wait3A_75 = tpu.memref_slice %arg2[%add3A_74] : memref<204800xi32, #tpu.memory_space<hbm>> -> memref<200xi32, #tpu.memory_space<hbm>>
      %dma_wait3A_76 = tpu.memref_slice %arg2[%add3A_74] : memref<204800xi32, #tpu.memory_space<hbm>> -> memref<200xi32, #tpu.memory_space<hbm>>
      tpu.wait_dma2 semaphore(%arg15 : memref<!tpu.dma_semaphore, #tpu.memory_space<semaphore_mem>>) src(%dma_wait3A_76 : memref<200xi32, #tpu.memory_space<hbm>>) dst(%arg7 : memref<200xi32, #tpu.memory_space<vmem>>)
      %dma_start3A_77 = arith.constant 0 : i32
      %dma_start3A_78 = arith.constant 0 : i32
      %dma_start3A_79 = tpu.memref_slice %arg11[%dma_start3A_77, %dma_start3A_78] : memref<200x128xf32, #tpu.memory_space<vmem>> -> memref<128x128xf32, #tpu.memory_space<vmem>>
      %dma_start3A_80 = arith.constant 0 : i32
      %dma_start3A_81 = tpu.memref_slice %arg7[%dma_start3A_80] : memref<200xi32, #tpu.memory_space<vmem>> -> memref<128xi32, #tpu.memory_space<vmem>>
      %dma_start3A_82 = arith.constant 0 : i32
      %dma_start3A_83 = arith.constant 0 : i32
      %dma_start3A_84 = tpu.memref_slice %arg4[%dma_start3A_82, %dma_start3A_83] : memref<100000x128xf32, #tpu.memory_space<hbm>> -> memref<100000x128xf32, #tpu.memory_space<hbm>>
      tpu.enqueue_indirect_dma source(%dma_start3A_84 : memref<100000x128xf32, #tpu.memory_space<hbm>>) target(%dma_start3A_79 : memref<128x128xf32, #tpu.memory_space<vmem>>) offsets(%dma_start3A_81 : memref<128xi32, #tpu.memory_space<vmem>>) semaphore(%arg19 : memref<!tpu.dma_semaphore, #tpu.memory_space<semaphore_mem>>) {add = true}
      %dma_start3A_85 = arith.constant 128 : i32
      %dma_start3A_86 = arith.constant 0 : i32
      %dma_start3A_87 = tpu.memref_slice %arg11[%dma_start3A_85, %dma_start3A_86] : memref<200x128xf32, #tpu.memory_space<vmem>> -> memref<72x128xf32, #tpu.memory_space<vmem>>
      %dma_start3A_88 = arith.constant 128 : i32
      %dma_start3A_89 = tpu.memref_slice %arg7[%dma_start3A_88] : memref<200xi32, #tpu.memory_space<vmem>> -> memref<72xi32, #tpu.memory_space<vmem>>
      %dma_start3A_90 = arith.constant 0 : i32
      %dma_start3A_91 = arith.constant 0 : i32
      %dma_start3A_92 = tpu.memref_slice %arg4[%dma_start3A_90, %dma_start3A_91] : memref<100000x128xf32, #tpu.memory_space<hbm>> -> memref<100000x128xf32, #tpu.memory_space<hbm>>
      tpu.enqueue_indirect_dma source(%dma_start3A_92 : memref<100000x128xf32, #tpu.memory_space<hbm>>) target(%dma_start3A_87 : memref<72x128xf32, #tpu.memory_space<vmem>>) offsets(%dma_start3A_89 : memref<72xi32, #tpu.memory_space<vmem>>) semaphore(%arg20 : memref<!tpu.dma_semaphore, #tpu.memory_space<semaphore_mem>>) {add = true}
      %gt3A_93 = arith.constant 0 : i32
      %gt3A_94 = arith.cmpi sgt, %add3A_55, %gt3A_93 : i32
      %convert_element_type3A_95 = arith.extui %gt3A_94 : i1 to i32
      %cond3A_96 = arith.constant 0 : i32
      %cond3A_97 = arith.cmpi ne, %convert_element_type3A_95, %cond3A_96 : i32
      scf.if %cond3A_97 {
        %sub3A_292 = arith.constant 1 : i32
        %sub3A_293 = arith.subi %add3A_59, %sub3A_292 : i32
        %dma_wait3A_294 = arith.constant 0 : i32
        %dma_wait3A_295 = arith.constant 0 : i32
        %dma_wait3A_296 = tpu.memref_slice %arg14[%dma_wait3A_294, %dma_wait3A_295] : memref<200x128xf32, #tpu.memory_space<vmem>> -> memref<128x128xf32, #tpu.memory_space<vmem>>
        %dma_wait3A_297 = arith.constant 0 : i32
        %dma_wait3A_298 = tpu.memref_slice %arg10[%dma_wait3A_297] : memref<200xi32, #tpu.memory_space<vmem>> -> memref<128xi32, #tpu.memory_space<vmem>>
        %dma_wait3A_299 = arith.constant 0 : i32
        %dma_wait3A_300 = arith.constant 0 : i32
        %dma_wait3A_301 = tpu.memref_slice %arg4[%dma_wait3A_299, %dma_wait3A_300] : memref<100000x128xf32, #tpu.memory_space<hbm>> -> memref<100000x128xf32, #tpu.memory_space<hbm>>
        tpu.wait_indirect_dma semaphore(%arg25 : memref<!tpu.dma_semaphore, #tpu.memory_space<semaphore_mem>>) src(%dma_wait3A_301 : memref<100000x128xf32, #tpu.memory_space<hbm>>) dst(%dma_wait3A_296 : memref<128x128xf32, #tpu.memory_space<vmem>>)
        %dma_wait3A_302 = arith.constant 128 : i32
        %dma_wait3A_303 = arith.constant 0 : i32
        %dma_wait3A_304 = tpu.memref_slice %arg14[%dma_wait3A_302, %dma_wait3A_303] : memref<200x128xf32, #tpu.memory_space<vmem>> -> memref<72x128xf32, #tpu.memory_space<vmem>>
        %dma_wait3A_305 = arith.constant 128 : i32
        %dma_wait3A_306 = tpu.memref_slice %arg10[%dma_wait3A_305] : memref<200xi32, #tpu.memory_space<vmem>> -> memref<72xi32, #tpu.memory_space<vmem>>
        %dma_wait3A_307 = arith.constant 0 : i32
        %dma_wait3A_308 = arith.constant 0 : i32
        %dma_wait3A_309 = tpu.memref_slice %arg4[%dma_wait3A_307, %dma_wait3A_308] : memref<100000x128xf32, #tpu.memory_space<hbm>> -> memref<100000x128xf32, #tpu.memory_space<hbm>>
        tpu.wait_indirect_dma semaphore(%arg26 : memref<!tpu.dma_semaphore, #tpu.memory_space<semaphore_mem>>) src(%dma_wait3A_309 : memref<100000x128xf32, #tpu.memory_space<hbm>>) dst(%dma_wait3A_304 : memref<72x128xf32, #tpu.memory_space<vmem>>)
        %mul3A_310 = arith.constant 200 : i32
        %mul3A_311 = arith.muli %sub3A_293, %mul3A_310 : i32
        %add3A_312 = arith.addi %mul3A_2, %mul3A_311 : i32
        %dma_start3A_313 = arith.constant 0 : i32
        %dma_start3A_314 = tpu.memref_slice %arg5[%add3A_312, %dma_start3A_313] : memref<204800x128xf32, #tpu.memory_space<hbm>> -> memref<200x128xf32, #tpu.memory_space<hbm>>
        %dma_start3A_315 = arith.constant 0 : i32
        %dma_start3A_316 = tpu.memref_slice %arg5[%add3A_312, %dma_start3A_315] : memref<204800x128xf32, #tpu.memory_space<hbm>> -> memref<200x128xf32, #tpu.memory_space<hbm>>
        tpu.enqueue_dma source(%arg14 : memref<200x128xf32, #tpu.memory_space<vmem>>) target(%dma_start3A_316 : memref<200x128xf32, #tpu.memory_space<hbm>>) target_semaphore(%arg30 : memref<!tpu.dma_semaphore, #tpu.memory_space<semaphore_mem>>)
      } else {
      }
      %mul3A_98 = arith.constant 4 : i32
      %mul3A_99 = arith.muli %add3A_55, %mul3A_98 : i32
      %add3A_100 = arith.constant 1 : i32
      %add3A_101 = arith.addi %mul3A_99, %add3A_100 : i32
      %gt3A_102 = arith.constant 0 : i32
      %gt3A_103 = arith.cmpi sgt, %add3A_55, %gt3A_102 : i32
      %convert_element_type3A_104 = arith.extui %gt3A_103 : i1 to i32
      %cond3A_105 = arith.constant 0 : i32
      %cond3A_106 = arith.cmpi ne, %convert_element_type3A_104, %cond3A_105 : i32
      scf.if %cond3A_106 {
        %sub3A_292 = arith.constant 4 : i32
        %sub3A_293 = arith.subi %add3A_101, %sub3A_292 : i32
        %mul3A_294 = arith.constant 200 : i32
        %mul3A_295 = arith.muli %sub3A_293, %mul3A_294 : i32
        %add3A_296 = arith.addi %mul3A_2, %mul3A_295 : i32
        %dma_wait3A_297 = arith.constant 0 : i32
        %dma_wait3A_298 = tpu.memref_slice %arg5[%add3A_296, %dma_wait3A_297] : memref<204800x128xf32, #tpu.memory_space<hbm>> -> memref<200x128xf32, #tpu.memory_space<hbm>>
        %dma_wait3A_299 = arith.constant 0 : i32
        %dma_wait3A_300 = tpu.memref_slice %arg5[%add3A_296, %dma_wait3A_299] : memref<204800x128xf32, #tpu.memory_space<hbm>> -> memref<200x128xf32, #tpu.memory_space<hbm>>
        tpu.wait_dma2 semaphore(%arg28 : memref<!tpu.dma_semaphore, #tpu.memory_space<semaphore_mem>>) src(%arg12 : memref<200x128xf32, #tpu.memory_space<vmem>>) dst(%dma_wait3A_300 : memref<200x128xf32, #tpu.memory_space<hbm>>)
      } else {
      }
      %mul3A_107 = arith.constant 200 : i32
      %mul3A_108 = arith.muli %add3A_101, %mul3A_107 : i32
      %add3A_109 = arith.addi %mul3A_2, %mul3A_108 : i32
      %dma_start3A_110 = tpu.memref_slice %arg2[%add3A_109] : memref<204800xi32, #tpu.memory_space<hbm>> -> memref<200xi32, #tpu.memory_space<hbm>>
      %dma_start3A_111 = tpu.memref_slice %arg2[%add3A_109] : memref<204800xi32, #tpu.memory_space<hbm>> -> memref<200xi32, #tpu.memory_space<hbm>>
      tpu.enqueue_dma source(%dma_start3A_111 : memref<200xi32, #tpu.memory_space<hbm>>) target(%arg8 : memref<200xi32, #tpu.memory_space<vmem>>) target_semaphore(%arg16 : memref<!tpu.dma_semaphore, #tpu.memory_space<semaphore_mem>>)
      %scan3A_112 = arith.constant 0 : i32
      %scan3A_113 = arith.constant 200 : i32
      %scan3A_114 = arith.addi %scan3A_112, %scan3A_113 : i32
      %scan3A_115 = arith.constant 1 : i32
      scf.for %scan3A_292 = %scan3A_112 to %scan3A_114 step %scan3A_115  : i32 {
        %mul3A_293 = arith.constant 1 : i32
        %mul3A_294 = arith.muli %scan3A_292, %mul3A_293 : i32
        %add3A_295 = arith.constant 0 : i32
        %add3A_296 = arith.addi %add3A_295, %mul3A_294 : i32
        %get3A = arith.index_cast %add3A_296 : i32 to index
        %get3A_297 = arith.constant 0 : index
        %get3A_298 = tpu.vector_load %arg6[%get3A, %get3A_297] {strides = array<i32>} : memref<200x128xf32, #tpu.memory_space<vmem>>, vector<1x16xf32>,
        %get3A_299 = vector.shape_cast %get3A_298 : vector<1x16xf32> to vector<16xf32>
        %swap3A = arith.index_cast %add3A_296 : i32 to index
        %swap3A_300 = arith.constant 0 : index
        %swap3A_301 = tpu.vector_load %arg12[%swap3A, %swap3A_300] {strides = array<i32>} : memref<200x128xf32, #tpu.memory_space<vmem>>, vector<1x16xf32>,
        %swap3A_302 = vector.shape_cast %swap3A_301 : vector<1x16xf32> to vector<16xf32>
        %swap3A_303 = vector.shape_cast %get3A_299 : vector<16xf32> to vector<1x16xf32>
        tpu.vector_store %arg12[%swap3A, %swap3A_300], %swap3A_303 {strides = array<i32>} : memref<200x128xf32, #tpu.memory_space<vmem>>, vector<1x16xf32>,
        %get3A_304 = arith.index_cast %add3A_296 : i32 to index
        %get3A_305 = arith.constant 16 : index
        %get3A_306 = tpu.vector_load %arg6[%get3A_304, %get3A_305] {strides = array<i32>} : memref<200x128xf32, #tpu.memory_space<vmem>>, vector<1x16xf32>,
        %get3A_307 = vector.shape_cast %get3A_306 : vector<1x16xf32> to vector<16xf32>
        %swap3A_308 = arith.index_cast %add3A_296 : i32 to index
        %swap3A_309 = arith.constant 16 : index
        %swap3A_310 = tpu.vector_load %arg12[%swap3A_308, %swap3A_309] {strides = array<i32>} : memref<200x128xf32, #tpu.memory_space<vmem>>, vector<1x16xf32>,
        %swap3A_311 = vector.shape_cast %swap3A_310 : vector<1x16xf32> to vector<16xf32>
        %swap3A_312 = vector.shape_cast %get3A_307 : vector<16xf32> to vector<1x16xf32>
        tpu.vector_store %arg12[%swap3A_308, %swap3A_309], %swap3A_312 {strides = array<i32>} : memref<200x128xf32, #tpu.memory_space<vmem>>, vector<1x16xf32>,
        %get3A_313 = arith.index_cast %add3A_296 : i32 to index
        %get3A_314 = arith.constant 32 : index
        %get3A_315 = tpu.vector_load %arg6[%get3A_313, %get3A_314] {strides = array<i32>} : memref<200x128xf32, #tpu.memory_space<vmem>>, vector<1x16xf32>,
        %get3A_316 = vector.shape_cast %get3A_315 : vector<1x16xf32> to vector<16xf32>
        %swap3A_317 = arith.index_cast %add3A_296 : i32 to index
        %swap3A_318 = arith.constant 32 : index
        %swap3A_319 = tpu.vector_load %arg12[%swap3A_317, %swap3A_318] {strides = array<i32>} : memref<200x128xf32, #tpu.memory_space<vmem>>, vector<1x16xf32>,
        %swap3A_320 = vector.shape_cast %swap3A_319 : vector<1x16xf32> to vector<16xf32>
        %swap3A_321 = vector.shape_cast %get3A_316 : vector<16xf32> to vector<1x16xf32>
        tpu.vector_store %arg12[%swap3A_317, %swap3A_318], %swap3A_321 {strides = array<i32>} : memref<200x128xf32, #tpu.memory_space<vmem>>, vector<1x16xf32>,
        %get3A_322 = arith.index_cast %add3A_296 : i32 to index
        %get3A_323 = arith.constant 48 : index
        %get3A_324 = tpu.vector_load %arg6[%get3A_322, %get3A_323] {strides = array<i32>} : memref<200x128xf32, #tpu.memory_space<vmem>>, vector<1x16xf32>,
        %get3A_325 = vector.shape_cast %get3A_324 : vector<1x16xf32> to vector<16xf32>
        %swap3A_326 = arith.index_cast %add3A_296 : i32 to index
        %swap3A_327 = arith.constant 48 : index
        %swap3A_328 = tpu.vector_load %arg12[%swap3A_326, %swap3A_327] {strides = array<i32>} : memref<200x128xf32, #tpu.memory_space<vmem>>, vector<1x16xf32>,
        %swap3A_329 = vector.shape_cast %swap3A_328 : vector<1x16xf32> to vector<16xf32>
        %swap3A_330 = vector.shape_cast %get3A_325 : vector<16xf32> to vector<1x16xf32>
        tpu.vector_store %arg12[%swap3A_326, %swap3A_327], %swap3A_330 {strides = array<i32>} : memref<200x128xf32, #tpu.memory_space<vmem>>, vector<1x16xf32>,
        %get3A_331 = arith.index_cast %add3A_296 : i32 to index
        %get3A_332 = arith.constant 64 : index
        %get3A_333 = tpu.vector_load %arg6[%get3A_331, %get3A_332] {strides = array<i32>} : memref<200x128xf32, #tpu.memory_space<vmem>>, vector<1x16xf32>,
        %get3A_334 = vector.shape_cast %get3A_333 : vector<1x16xf32> to vector<16xf32>
        %swap3A_335 = arith.index_cast %add3A_296 : i32 to index
        %swap3A_336 = arith.constant 64 : index
        %swap3A_337 = tpu.vector_load %arg12[%swap3A_335, %swap3A_336] {strides = array<i32>} : memref<200x128xf32, #tpu.memory_space<vmem>>, vector<1x16xf32>,
        %swap3A_338 = vector.shape_cast %swap3A_337 : vector<1x16xf32> to vector<16xf32>
        %swap3A_339 = vector.shape_cast %get3A_334 : vector<16xf32> to vector<1x16xf32>
        tpu.vector_store %arg12[%swap3A_335, %swap3A_336], %swap3A_339 {strides = array<i32>} : memref<200x128xf32, #tpu.memory_space<vmem>>, vector<1x16xf32>,
        %get3A_340 = arith.index_cast %add3A_296 : i32 to index
        %get3A_341 = arith.constant 80 : index
        %get3A_342 = tpu.vector_load %arg6[%get3A_340, %get3A_341] {strides = array<i32>} : memref<200x128xf32, #tpu.memory_space<vmem>>, vector<1x16xf32>,
        %get3A_343 = vector.shape_cast %get3A_342 : vector<1x16xf32> to vector<16xf32>
        %swap3A_344 = arith.index_cast %add3A_296 : i32 to index
        %swap3A_345 = arith.constant 80 : index
        %swap3A_346 = tpu.vector_load %arg12[%swap3A_344, %swap3A_345] {strides = array<i32>} : memref<200x128xf32, #tpu.memory_space<vmem>>, vector<1x16xf32>,
        %swap3A_347 = vector.shape_cast %swap3A_346 : vector<1x16xf32> to vector<16xf32>
        %swap3A_348 = vector.shape_cast %get3A_343 : vector<16xf32> to vector<1x16xf32>
        tpu.vector_store %arg12[%swap3A_344, %swap3A_345], %swap3A_348 {strides = array<i32>} : memref<200x128xf32, #tpu.memory_space<vmem>>, vector<1x16xf32>,
        %get3A_349 = arith.index_cast %add3A_296 : i32 to index
        %get3A_350 = arith.constant 96 : index
        %get3A_351 = tpu.vector_load %arg6[%get3A_349, %get3A_350] {strides = array<i32>} : memref<200x128xf32, #tpu.memory_space<vmem>>, vector<1x16xf32>,
        %get3A_352 = vector.shape_cast %get3A_351 : vector<1x16xf32> to vector<16xf32>
        %swap3A_353 = arith.index_cast %add3A_296 : i32 to index
        %swap3A_354 = arith.constant 96 : index
        %swap3A_355 = tpu.vector_load %arg12[%swap3A_353, %swap3A_354] {strides = array<i32>} : memref<200x128xf32, #tpu.memory_space<vmem>>, vector<1x16xf32>,
        %swap3A_356 = vector.shape_cast %swap3A_355 : vector<1x16xf32> to vector<16xf32>
        %swap3A_357 = vector.shape_cast %get3A_352 : vector<16xf32> to vector<1x16xf32>
        tpu.vector_store %arg12[%swap3A_353, %swap3A_354], %swap3A_357 {strides = array<i32>} : memref<200x128xf32, #tpu.memory_space<vmem>>, vector<1x16xf32>,
        %get3A_358 = arith.index_cast %add3A_296 : i32 to index
        %get3A_359 = arith.constant 112 : index
        %get3A_360 = tpu.vector_load %arg6[%get3A_358, %get3A_359] {strides = array<i32>} : memref<200x128xf32, #tpu.memory_space<vmem>>, vector<1x16xf32>,
        %get3A_361 = vector.shape_cast %get3A_360 : vector<1x16xf32> to vector<16xf32>
        %swap3A_362 = arith.index_cast %add3A_296 : i32 to index
        %swap3A_363 = arith.constant 112 : index
        %swap3A_364 = tpu.vector_load %arg12[%swap3A_362, %swap3A_363] {strides = array<i32>} : memref<200x128xf32, #tpu.memory_space<vmem>>, vector<1x16xf32>,
        %swap3A_365 = vector.shape_cast %swap3A_364 : vector<1x16xf32> to vector<16xf32>
        %swap3A_366 = vector.shape_cast %get3A_361 : vector<16xf32> to vector<1x16xf32>
        tpu.vector_store %arg12[%swap3A_362, %swap3A_363], %swap3A_366 {strides = array<i32>} : memref<200x128xf32, #tpu.memory_space<vmem>>, vector<1x16xf32>,
      }
      %scan3A_116 = arith.constant 200 : i32
      %mul3A_117 = arith.constant 200 : i32
      %mul3A_118 = arith.muli %add3A_101, %mul3A_117 : i32
      %add3A_119 = arith.addi %mul3A_2, %mul3A_118 : i32
      %dma_wait3A_120 = tpu.memref_slice %arg2[%add3A_119] : memref<204800xi32, #tpu.memory_space<hbm>> -> memref<200xi32, #tpu.memory_space<hbm>>
      %dma_wait3A_121 = tpu.memref_slice %arg2[%add3A_119] : memref<204800xi32, #tpu.memory_space<hbm>> -> memref<200xi32, #tpu.memory_space<hbm>>
      tpu.wait_dma2 semaphore(%arg16 : memref<!tpu.dma_semaphore, #tpu.memory_space<semaphore_mem>>) src(%dma_wait3A_121 : memref<200xi32, #tpu.memory_space<hbm>>) dst(%arg8 : memref<200xi32, #tpu.memory_space<vmem>>)
      %dma_start3A_122 = arith.constant 0 : i32
      %dma_start3A_123 = arith.constant 0 : i32
      %dma_start3A_124 = tpu.memref_slice %arg12[%dma_start3A_122, %dma_start3A_123] : memref<200x128xf32, #tpu.memory_space<vmem>> -> memref<128x128xf32, #tpu.memory_space<vmem>>
      %dma_start3A_125 = arith.constant 0 : i32
      %dma_start3A_126 = tpu.memref_slice %arg8[%dma_start3A_125] : memref<200xi32, #tpu.memory_space<vmem>> -> memref<128xi32, #tpu.memory_space<vmem>>
      %dma_start3A_127 = arith.constant 0 : i32
      %dma_start3A_128 = arith.constant 0 : i32
      %dma_start3A_129 = tpu.memref_slice %arg4[%dma_start3A_127, %dma_start3A_128] : memref<100000x128xf32, #tpu.memory_space<hbm>> -> memref<100000x128xf32, #tpu.memory_space<hbm>>
      tpu.enqueue_indirect_dma source(%dma_start3A_129 : memref<100000x128xf32, #tpu.memory_space<hbm>>) target(%dma_start3A_124 : memref<128x128xf32, #tpu.memory_space<vmem>>) offsets(%dma_start3A_126 : memref<128xi32, #tpu.memory_space<vmem>>) semaphore(%arg21 : memref<!tpu.dma_semaphore, #tpu.memory_space<semaphore_mem>>) {add = true}
      %dma_start3A_130 = arith.constant 128 : i32
      %dma_start3A_131 = arith.constant 0 : i32
      %dma_start3A_132 = tpu.memref_slice %arg12[%dma_start3A_130, %dma_start3A_131] : memref<200x128xf32, #tpu.memory_space<vmem>> -> memref<72x128xf32, #tpu.memory_space<vmem>>
      %dma_start3A_133 = arith.constant 128 : i32
      %dma_start3A_134 = tpu.memref_slice %arg8[%dma_start3A_133] : memref<200xi32, #tpu.memory_space<vmem>> -> memref<72xi32, #tpu.memory_space<vmem>>
      %dma_start3A_135 = arith.constant 0 : i32
      %dma_start3A_136 = arith.constant 0 : i32
      %dma_start3A_137 = tpu.memref_slice %arg4[%dma_start3A_135, %dma_start3A_136] : memref<100000x128xf32, #tpu.memory_space<hbm>> -> memref<100000x128xf32, #tpu.memory_space<hbm>>
      tpu.enqueue_indirect_dma source(%dma_start3A_137 : memref<100000x128xf32, #tpu.memory_space<hbm>>) target(%dma_start3A_132 : memref<72x128xf32, #tpu.memory_space<vmem>>) offsets(%dma_start3A_134 : memref<72xi32, #tpu.memory_space<vmem>>) semaphore(%arg22 : memref<!tpu.dma_semaphore, #tpu.memory_space<semaphore_mem>>) {add = true}
      %sub3A = arith.constant 1 : i32
      %sub3A_138 = arith.subi %add3A_101, %sub3A : i32
      %dma_wait3A_139 = arith.constant 0 : i32
      %dma_wait3A_140 = arith.constant 0 : i32
      %dma_wait3A_141 = tpu.memref_slice %arg11[%dma_wait3A_139, %dma_wait3A_140] : memref<200x128xf32, #tpu.memory_space<vmem>> -> memref<128x128xf32, #tpu.memory_space<vmem>>
      %dma_wait3A_142 = arith.constant 0 : i32
      %dma_wait3A_143 = tpu.memref_slice %arg7[%dma_wait3A_142] : memref<200xi32, #tpu.memory_space<vmem>> -> memref<128xi32, #tpu.memory_space<vmem>>
      %dma_wait3A_144 = arith.constant 0 : i32
      %dma_wait3A_145 = arith.constant 0 : i32
      %dma_wait3A_146 = tpu.memref_slice %arg4[%dma_wait3A_144, %dma_wait3A_145] : memref<100000x128xf32, #tpu.memory_space<hbm>> -> memref<100000x128xf32, #tpu.memory_space<hbm>>
      tpu.wait_indirect_dma semaphore(%arg19 : memref<!tpu.dma_semaphore, #tpu.memory_space<semaphore_mem>>) src(%dma_wait3A_146 : memref<100000x128xf32, #tpu.memory_space<hbm>>) dst(%dma_wait3A_141 : memref<128x128xf32, #tpu.memory_space<vmem>>)
      %dma_wait3A_147 = arith.constant 128 : i32
      %dma_wait3A_148 = arith.constant 0 : i32
      %dma_wait3A_149 = tpu.memref_slice %arg11[%dma_wait3A_147, %dma_wait3A_148] : memref<200x128xf32, #tpu.memory_space<vmem>> -> memref<72x128xf32, #tpu.memory_space<vmem>>
      %dma_wait3A_150 = arith.constant 128 : i32
      %dma_wait3A_151 = tpu.memref_slice %arg7[%dma_wait3A_150] : memref<200xi32, #tpu.memory_space<vmem>> -> memref<72xi32, #tpu.memory_space<vmem>>
      %dma_wait3A_152 = arith.constant 0 : i32
      %dma_wait3A_153 = arith.constant 0 : i32
      %dma_wait3A_154 = tpu.memref_slice %arg4[%dma_wait3A_152, %dma_wait3A_153] : memref<100000x128xf32, #tpu.memory_space<hbm>> -> memref<100000x128xf32, #tpu.memory_space<hbm>>
      tpu.wait_indirect_dma semaphore(%arg20 : memref<!tpu.dma_semaphore, #tpu.memory_space<semaphore_mem>>) src(%dma_wait3A_154 : memref<100000x128xf32, #tpu.memory_space<hbm>>) dst(%dma_wait3A_149 : memref<72x128xf32, #tpu.memory_space<vmem>>)
      %mul3A_155 = arith.constant 200 : i32
      %mul3A_156 = arith.muli %sub3A_138, %mul3A_155 : i32
      %add3A_157 = arith.addi %mul3A_2, %mul3A_156 : i32
      %dma_start3A_158 = arith.constant 0 : i32
      %dma_start3A_159 = tpu.memref_slice %arg5[%add3A_157, %dma_start3A_158] : memref<204800x128xf32, #tpu.memory_space<hbm>> -> memref<200x128xf32, #tpu.memory_space<hbm>>
      %dma_start3A_160 = arith.constant 0 : i32
      %dma_start3A_161 = tpu.memref_slice %arg5[%add3A_157, %dma_start3A_160] : memref<204800x128xf32, #tpu.memory_space<hbm>> -> memref<200x128xf32, #tpu.memory_space<hbm>>
      tpu.enqueue_dma source(%arg11 : memref<200x128xf32, #tpu.memory_space<vmem>>) target(%dma_start3A_161 : memref<200x128xf32, #tpu.memory_space<hbm>>) target_semaphore(%arg27 : memref<!tpu.dma_semaphore, #tpu.memory_space<semaphore_mem>>)
      %mul3A_162 = arith.constant 4 : i32
      %mul3A_163 = arith.muli %add3A_55, %mul3A_162 : i32
      %add3A_164 = arith.constant 2 : i32
      %add3A_165 = arith.addi %mul3A_163, %add3A_164 : i32
      %gt3A_166 = arith.constant 0 : i32
      %gt3A_167 = arith.cmpi sgt, %add3A_55, %gt3A_166 : i32
      %convert_element_type3A_168 = arith.extui %gt3A_167 : i1 to i32
      %cond3A_169 = arith.constant 0 : i32
      %cond3A_170 = arith.cmpi ne, %convert_element_type3A_168, %cond3A_169 : i32
      scf.if %cond3A_170 {
        %sub3A_292 = arith.constant 4 : i32
        %sub3A_293 = arith.subi %add3A_165, %sub3A_292 : i32
        %mul3A_294 = arith.constant 200 : i32
        %mul3A_295 = arith.muli %sub3A_293, %mul3A_294 : i32
        %add3A_296 = arith.addi %mul3A_2, %mul3A_295 : i32
        %dma_wait3A_297 = arith.constant 0 : i32
        %dma_wait3A_298 = tpu.memref_slice %arg5[%add3A_296, %dma_wait3A_297] : memref<204800x128xf32, #tpu.memory_space<hbm>> -> memref<200x128xf32, #tpu.memory_space<hbm>>
        %dma_wait3A_299 = arith.constant 0 : i32
        %dma_wait3A_300 = tpu.memref_slice %arg5[%add3A_296, %dma_wait3A_299] : memref<204800x128xf32, #tpu.memory_space<hbm>> -> memref<200x128xf32, #tpu.memory_space<hbm>>
        tpu.wait_dma2 semaphore(%arg29 : memref<!tpu.dma_semaphore, #tpu.memory_space<semaphore_mem>>) src(%arg13 : memref<200x128xf32, #tpu.memory_space<vmem>>) dst(%dma_wait3A_300 : memref<200x128xf32, #tpu.memory_space<hbm>>)
      } else {
      }
      %mul3A_171 = arith.constant 200 : i32
      %mul3A_172 = arith.muli %add3A_165, %mul3A_171 : i32
      %add3A_173 = arith.addi %mul3A_2, %mul3A_172 : i32
      %dma_start3A_174 = tpu.memref_slice %arg2[%add3A_173] : memref<204800xi32, #tpu.memory_space<hbm>> -> memref<200xi32, #tpu.memory_space<hbm>>
      %dma_start3A_175 = tpu.memref_slice %arg2[%add3A_173] : memref<204800xi32, #tpu.memory_space<hbm>> -> memref<200xi32, #tpu.memory_space<hbm>>
      tpu.enqueue_dma source(%dma_start3A_175 : memref<200xi32, #tpu.memory_space<hbm>>) target(%arg9 : memref<200xi32, #tpu.memory_space<vmem>>) target_semaphore(%arg17 : memref<!tpu.dma_semaphore, #tpu.memory_space<semaphore_mem>>)
      %scan3A_176 = arith.constant 0 : i32
      %scan3A_177 = arith.constant 200 : i32
      %scan3A_178 = arith.addi %scan3A_176, %scan3A_177 : i32
      %scan3A_179 = arith.constant 1 : i32
      scf.for %scan3A_292 = %scan3A_176 to %scan3A_178 step %scan3A_179  : i32 {
        %mul3A_293 = arith.constant 1 : i32
        %mul3A_294 = arith.muli %scan3A_292, %mul3A_293 : i32
        %add3A_295 = arith.constant 0 : i32
        %add3A_296 = arith.addi %add3A_295, %mul3A_294 : i32
        %get3A = arith.index_cast %add3A_296 : i32 to index
        %get3A_297 = arith.constant 0 : index
        %get3A_298 = tpu.vector_load %arg6[%get3A, %get3A_297] {strides = array<i32>} : memref<200x128xf32, #tpu.memory_space<vmem>>, vector<1x16xf32>,
        %get3A_299 = vector.shape_cast %get3A_298 : vector<1x16xf32> to vector<16xf32>
        %swap3A = arith.index_cast %add3A_296 : i32 to index
        %swap3A_300 = arith.constant 0 : index
        %swap3A_301 = tpu.vector_load %arg13[%swap3A, %swap3A_300] {strides = array<i32>} : memref<200x128xf32, #tpu.memory_space<vmem>>, vector<1x16xf32>,
        %swap3A_302 = vector.shape_cast %swap3A_301 : vector<1x16xf32> to vector<16xf32>
        %swap3A_303 = vector.shape_cast %get3A_299 : vector<16xf32> to vector<1x16xf32>
        tpu.vector_store %arg13[%swap3A, %swap3A_300], %swap3A_303 {strides = array<i32>} : memref<200x128xf32, #tpu.memory_space<vmem>>, vector<1x16xf32>,
        %get3A_304 = arith.index_cast %add3A_296 : i32 to index
        %get3A_305 = arith.constant 16 : index
        %get3A_306 = tpu.vector_load %arg6[%get3A_304, %get3A_305] {strides = array<i32>} : memref<200x128xf32, #tpu.memory_space<vmem>>, vector<1x16xf32>,
        %get3A_307 = vector.shape_cast %get3A_306 : vector<1x16xf32> to vector<16xf32>
        %swap3A_308 = arith.index_cast %add3A_296 : i32 to index
        %swap3A_309 = arith.constant 16 : index
        %swap3A_310 = tpu.vector_load %arg13[%swap3A_308, %swap3A_309] {strides = array<i32>} : memref<200x128xf32, #tpu.memory_space<vmem>>, vector<1x16xf32>,
        %swap3A_311 = vector.shape_cast %swap3A_310 : vector<1x16xf32> to vector<16xf32>
        %swap3A_312 = vector.shape_cast %get3A_307 : vector<16xf32> to vector<1x16xf32>
        tpu.vector_store %arg13[%swap3A_308, %swap3A_309], %swap3A_312 {strides = array<i32>} : memref<200x128xf32, #tpu.memory_space<vmem>>, vector<1x16xf32>,
        %get3A_313 = arith.index_cast %add3A_296 : i32 to index
        %get3A_314 = arith.constant 32 : index
        %get3A_315 = tpu.vector_load %arg6[%get3A_313, %get3A_314] {strides = array<i32>} : memref<200x128xf32, #tpu.memory_space<vmem>>, vector<1x16xf32>,
        %get3A_316 = vector.shape_cast %get3A_315 : vector<1x16xf32> to vector<16xf32>
        %swap3A_317 = arith.index_cast %add3A_296 : i32 to index
        %swap3A_318 = arith.constant 32 : index
        %swap3A_319 = tpu.vector_load %arg13[%swap3A_317, %swap3A_318] {strides = array<i32>} : memref<200x128xf32, #tpu.memory_space<vmem>>, vector<1x16xf32>,
        %swap3A_320 = vector.shape_cast %swap3A_319 : vector<1x16xf32> to vector<16xf32>
        %swap3A_321 = vector.shape_cast %get3A_316 : vector<16xf32> to vector<1x16xf32>
        tpu.vector_store %arg13[%swap3A_317, %swap3A_318], %swap3A_321 {strides = array<i32>} : memref<200x128xf32, #tpu.memory_space<vmem>>, vector<1x16xf32>,
        %get3A_322 = arith.index_cast %add3A_296 : i32 to index
        %get3A_323 = arith.constant 48 : index
        %get3A_324 = tpu.vector_load %arg6[%get3A_322, %get3A_323] {strides = array<i32>} : memref<200x128xf32, #tpu.memory_space<vmem>>, vector<1x16xf32>,
        %get3A_325 = vector.shape_cast %get3A_324 : vector<1x16xf32> to vector<16xf32>
        %swap3A_326 = arith.index_cast %add3A_296 : i32 to index
        %swap3A_327 = arith.constant 48 : index
        %swap3A_328 = tpu.vector_load %arg13[%swap3A_326, %swap3A_327] {strides = array<i32>} : memref<200x128xf32, #tpu.memory_space<vmem>>, vector<1x16xf32>,
        %swap3A_329 = vector.shape_cast %swap3A_328 : vector<1x16xf32> to vector<16xf32>
        %swap3A_330 = vector.shape_cast %get3A_325 : vector<16xf32> to vector<1x16xf32>
        tpu.vector_store %arg13[%swap3A_326, %swap3A_327], %swap3A_330 {strides = array<i32>} : memref<200x128xf32, #tpu.memory_space<vmem>>, vector<1x16xf32>,
        %get3A_331 = arith.index_cast %add3A_296 : i32 to index
        %get3A_332 = arith.constant 64 : index
        %get3A_333 = tpu.vector_load %arg6[%get3A_331, %get3A_332] {strides = array<i32>} : memref<200x128xf32, #tpu.memory_space<vmem>>, vector<1x16xf32>,
        %get3A_334 = vector.shape_cast %get3A_333 : vector<1x16xf32> to vector<16xf32>
        %swap3A_335 = arith.index_cast %add3A_296 : i32 to index
        %swap3A_336 = arith.constant 64 : index
        %swap3A_337 = tpu.vector_load %arg13[%swap3A_335, %swap3A_336] {strides = array<i32>} : memref<200x128xf32, #tpu.memory_space<vmem>>, vector<1x16xf32>,
        %swap3A_338 = vector.shape_cast %swap3A_337 : vector<1x16xf32> to vector<16xf32>
        %swap3A_339 = vector.shape_cast %get3A_334 : vector<16xf32> to vector<1x16xf32>
        tpu.vector_store %arg13[%swap3A_335, %swap3A_336], %swap3A_339 {strides = array<i32>} : memref<200x128xf32, #tpu.memory_space<vmem>>, vector<1x16xf32>,
        %get3A_340 = arith.index_cast %add3A_296 : i32 to index
        %get3A_341 = arith.constant 80 : index
        %get3A_342 = tpu.vector_load %arg6[%get3A_340, %get3A_341] {strides = array<i32>} : memref<200x128xf32, #tpu.memory_space<vmem>>, vector<1x16xf32>,
        %get3A_343 = vector.shape_cast %get3A_342 : vector<1x16xf32> to vector<16xf32>
        %swap3A_344 = arith.index_cast %add3A_296 : i32 to index
        %swap3A_345 = arith.constant 80 : index
        %swap3A_346 = tpu.vector_load %arg13[%swap3A_344, %swap3A_345] {strides = array<i32>} : memref<200x128xf32, #tpu.memory_space<vmem>>, vector<1x16xf32>,
        %swap3A_347 = vector.shape_cast %swap3A_346 : vector<1x16xf32> to vector<16xf32>
        %swap3A_348 = vector.shape_cast %get3A_343 : vector<16xf32> to vector<1x16xf32>
        tpu.vector_store %arg13[%swap3A_344, %swap3A_345], %swap3A_348 {strides = array<i32>} : memref<200x128xf32, #tpu.memory_space<vmem>>, vector<1x16xf32>,
        %get3A_349 = arith.index_cast %add3A_296 : i32 to index
        %get3A_350 = arith.constant 96 : index
        %get3A_351 = tpu.vector_load %arg6[%get3A_349, %get3A_350] {strides = array<i32>} : memref<200x128xf32, #tpu.memory_space<vmem>>, vector<1x16xf32>,
        %get3A_352 = vector.shape_cast %get3A_351 : vector<1x16xf32> to vector<16xf32>
        %swap3A_353 = arith.index_cast %add3A_296 : i32 to index
        %swap3A_354 = arith.constant 96 : index
        %swap3A_355 = tpu.vector_load %arg13[%swap3A_353, %swap3A_354] {strides = array<i32>} : memref<200x128xf32, #tpu.memory_space<vmem>>, vector<1x16xf32>,
        %swap3A_356 = vector.shape_cast %swap3A_355 : vector<1x16xf32> to vector<16xf32>
        %swap3A_357 = vector.shape_cast %get3A_352 : vector<16xf32> to vector<1x16xf32>
        tpu.vector_store %arg13[%swap3A_353, %swap3A_354], %swap3A_357 {strides = array<i32>} : memref<200x128xf32, #tpu.memory_space<vmem>>, vector<1x16xf32>,
        %get3A_358 = arith.index_cast %add3A_296 : i32 to index
        %get3A_359 = arith.constant 112 : index
        %get3A_360 = tpu.vector_load %arg6[%get3A_358, %get3A_359] {strides = array<i32>} : memref<200x128xf32, #tpu.memory_space<vmem>>, vector<1x16xf32>,
        %get3A_361 = vector.shape_cast %get3A_360 : vector<1x16xf32> to vector<16xf32>
        %swap3A_362 = arith.index_cast %add3A_296 : i32 to index
        %swap3A_363 = arith.constant 112 : index
        %swap3A_364 = tpu.vector_load %arg13[%swap3A_362, %swap3A_363] {strides = array<i32>} : memref<200x128xf32, #tpu.memory_space<vmem>>, vector<1x16xf32>,
        %swap3A_365 = vector.shape_cast %swap3A_364 : vector<1x16xf32> to vector<16xf32>
        %swap3A_366 = vector.shape_cast %get3A_361 : vector<16xf32> to vector<1x16xf32>
        tpu.vector_store %arg13[%swap3A_362, %swap3A_363], %swap3A_366 {strides = array<i32>} : memref<200x128xf32, #tpu.memory_space<vmem>>, vector<1x16xf32>,
      }
      %scan3A_180 = arith.constant 200 : i32
      %mul3A_181 = arith.constant 200 : i32
      %mul3A_182 = arith.muli %add3A_165, %mul3A_181 : i32
      %add3A_183 = arith.addi %mul3A_2, %mul3A_182 : i32
      %dma_wait3A_184 = tpu.memref_slice %arg2[%add3A_183] : memref<204800xi32, #tpu.memory_space<hbm>> -> memref<200xi32, #tpu.memory_space<hbm>>
      %dma_wait3A_185 = tpu.memref_slice %arg2[%add3A_183] : memref<204800xi32, #tpu.memory_space<hbm>> -> memref<200xi32, #tpu.memory_space<hbm>>
      tpu.wait_dma2 semaphore(%arg17 : memref<!tpu.dma_semaphore, #tpu.memory_space<semaphore_mem>>) src(%dma_wait3A_185 : memref<200xi32, #tpu.memory_space<hbm>>) dst(%arg9 : memref<200xi32, #tpu.memory_space<vmem>>)
      %dma_start3A_186 = arith.constant 0 : i32
      %dma_start3A_187 = arith.constant 0 : i32
      %dma_start3A_188 = tpu.memref_slice %arg13[%dma_start3A_186, %dma_start3A_187] : memref<200x128xf32, #tpu.memory_space<vmem>> -> memref<128x128xf32, #tpu.memory_space<vmem>>
      %dma_start3A_189 = arith.constant 0 : i32
      %dma_start3A_190 = tpu.memref_slice %arg9[%dma_start3A_189] : memref<200xi32, #tpu.memory_space<vmem>> -> memref<128xi32, #tpu.memory_space<vmem>>
      %dma_start3A_191 = arith.constant 0 : i32
      %dma_start3A_192 = arith.constant 0 : i32
      %dma_start3A_193 = tpu.memref_slice %arg4[%dma_start3A_191, %dma_start3A_192] : memref<100000x128xf32, #tpu.memory_space<hbm>> -> memref<100000x128xf32, #tpu.memory_space<hbm>>
      tpu.enqueue_indirect_dma source(%dma_start3A_193 : memref<100000x128xf32, #tpu.memory_space<hbm>>) target(%dma_start3A_188 : memref<128x128xf32, #tpu.memory_space<vmem>>) offsets(%dma_start3A_190 : memref<128xi32, #tpu.memory_space<vmem>>) semaphore(%arg23 : memref<!tpu.dma_semaphore, #tpu.memory_space<semaphore_mem>>) {add = true}
      %dma_start3A_194 = arith.constant 128 : i32
      %dma_start3A_195 = arith.constant 0 : i32
      %dma_start3A_196 = tpu.memref_slice %arg13[%dma_start3A_194, %dma_start3A_195] : memref<200x128xf32, #tpu.memory_space<vmem>> -> memref<72x128xf32, #tpu.memory_space<vmem>>
      %dma_start3A_197 = arith.constant 128 : i32
      %dma_start3A_198 = tpu.memref_slice %arg9[%dma_start3A_197] : memref<200xi32, #tpu.memory_space<vmem>> -> memref<72xi32, #tpu.memory_space<vmem>>
      %dma_start3A_199 = arith.constant 0 : i32
      %dma_start3A_200 = arith.constant 0 : i32
      %dma_start3A_201 = tpu.memref_slice %arg4[%dma_start3A_199, %dma_start3A_200] : memref<100000x128xf32, #tpu.memory_space<hbm>> -> memref<100000x128xf32, #tpu.memory_space<hbm>>
      tpu.enqueue_indirect_dma source(%dma_start3A_201 : memref<100000x128xf32, #tpu.memory_space<hbm>>) target(%dma_start3A_196 : memref<72x128xf32, #tpu.memory_space<vmem>>) offsets(%dma_start3A_198 : memref<72xi32, #tpu.memory_space<vmem>>) semaphore(%arg24 : memref<!tpu.dma_semaphore, #tpu.memory_space<semaphore_mem>>) {add = true}
      %sub3A_202 = arith.constant 1 : i32
      %sub3A_203 = arith.subi %add3A_165, %sub3A_202 : i32
      %dma_wait3A_204 = arith.constant 0 : i32
      %dma_wait3A_205 = arith.constant 0 : i32
      %dma_wait3A_206 = tpu.memref_slice %arg12[%dma_wait3A_204, %dma_wait3A_205] : memref<200x128xf32, #tpu.memory_space<vmem>> -> memref<128x128xf32, #tpu.memory_space<vmem>>
      %dma_wait3A_207 = arith.constant 0 : i32
      %dma_wait3A_208 = tpu.memref_slice %arg8[%dma_wait3A_207] : memref<200xi32, #tpu.memory_space<vmem>> -> memref<128xi32, #tpu.memory_space<vmem>>
      %dma_wait3A_209 = arith.constant 0 : i32
      %dma_wait3A_210 = arith.constant 0 : i32
      %dma_wait3A_211 = tpu.memref_slice %arg4[%dma_wait3A_209, %dma_wait3A_210] : memref<100000x128xf32, #tpu.memory_space<hbm>> -> memref<100000x128xf32, #tpu.memory_space<hbm>>
      tpu.wait_indirect_dma semaphore(%arg21 : memref<!tpu.dma_semaphore, #tpu.memory_space<semaphore_mem>>) src(%dma_wait3A_211 : memref<100000x128xf32, #tpu.memory_space<hbm>>) dst(%dma_wait3A_206 : memref<128x128xf32, #tpu.memory_space<vmem>>)
      %dma_wait3A_212 = arith.constant 128 : i32
      %dma_wait3A_213 = arith.constant 0 : i32
      %dma_wait3A_214 = tpu.memref_slice %arg12[%dma_wait3A_212, %dma_wait3A_213] : memref<200x128xf32, #tpu.memory_space<vmem>> -> memref<72x128xf32, #tpu.memory_space<vmem>>
      %dma_wait3A_215 = arith.constant 128 : i32
      %dma_wait3A_216 = tpu.memref_slice %arg8[%dma_wait3A_215] : memref<200xi32, #tpu.memory_space<vmem>> -> memref<72xi32, #tpu.memory_space<vmem>>
      %dma_wait3A_217 = arith.constant 0 : i32
      %dma_wait3A_218 = arith.constant 0 : i32
      %dma_wait3A_219 = tpu.memref_slice %arg4[%dma_wait3A_217, %dma_wait3A_218] : memref<100000x128xf32, #tpu.memory_space<hbm>> -> memref<100000x128xf32, #tpu.memory_space<hbm>>
      tpu.wait_indirect_dma semaphore(%arg22 : memref<!tpu.dma_semaphore, #tpu.memory_space<semaphore_mem>>) src(%dma_wait3A_219 : memref<100000x128xf32, #tpu.memory_space<hbm>>) dst(%dma_wait3A_214 : memref<72x128xf32, #tpu.memory_space<vmem>>)
      %mul3A_220 = arith.constant 200 : i32
      %mul3A_221 = arith.muli %sub3A_203, %mul3A_220 : i32
      %add3A_222 = arith.addi %mul3A_2, %mul3A_221 : i32
      %dma_start3A_223 = arith.constant 0 : i32
      %dma_start3A_224 = tpu.memref_slice %arg5[%add3A_222, %dma_start3A_223] : memref<204800x128xf32, #tpu.memory_space<hbm>> -> memref<200x128xf32, #tpu.memory_space<hbm>>
      %dma_start3A_225 = arith.constant 0 : i32
      %dma_start3A_226 = tpu.memref_slice %arg5[%add3A_222, %dma_start3A_225] : memref<204800x128xf32, #tpu.memory_space<hbm>> -> memref<200x128xf32, #tpu.memory_space<hbm>>
      tpu.enqueue_dma source(%arg12 : memref<200x128xf32, #tpu.memory_space<vmem>>) target(%dma_start3A_226 : memref<200x128xf32, #tpu.memory_space<hbm>>) target_semaphore(%arg28 : memref<!tpu.dma_semaphore, #tpu.memory_space<semaphore_mem>>)
      %mul3A_227 = arith.constant 4 : i32
      %mul3A_228 = arith.muli %add3A_55, %mul3A_227 : i32
      %add3A_229 = arith.constant 3 : i32
      %add3A_230 = arith.addi %mul3A_228, %add3A_229 : i32
      %gt3A_231 = arith.constant 0 : i32
      %gt3A_232 = arith.cmpi sgt, %add3A_55, %gt3A_231 : i32
      %convert_element_type3A_233 = arith.extui %gt3A_232 : i1 to i32
      %cond3A_234 = arith.constant 0 : i32
      %cond3A_235 = arith.cmpi ne, %convert_element_type3A_233, %cond3A_234 : i32
      scf.if %cond3A_235 {
        %sub3A_292 = arith.constant 4 : i32
        %sub3A_293 = arith.subi %add3A_230, %sub3A_292 : i32
        %mul3A_294 = arith.constant 200 : i32
        %mul3A_295 = arith.muli %sub3A_293, %mul3A_294 : i32
        %add3A_296 = arith.addi %mul3A_2, %mul3A_295 : i32
        %dma_wait3A_297 = arith.constant 0 : i32
        %dma_wait3A_298 = tpu.memref_slice %arg5[%add3A_296, %dma_wait3A_297] : memref<204800x128xf32, #tpu.memory_space<hbm>> -> memref<200x128xf32, #tpu.memory_space<hbm>>
        %dma_wait3A_299 = arith.constant 0 : i32
        %dma_wait3A_300 = tpu.memref_slice %arg5[%add3A_296, %dma_wait3A_299] : memref<204800x128xf32, #tpu.memory_space<hbm>> -> memref<200x128xf32, #tpu.memory_space<hbm>>
        tpu.wait_dma2 semaphore(%arg30 : memref<!tpu.dma_semaphore, #tpu.memory_space<semaphore_mem>>) src(%arg14 : memref<200x128xf32, #tpu.memory_space<vmem>>) dst(%dma_wait3A_300 : memref<200x128xf32, #tpu.memory_space<hbm>>)
      } else {
      }
      %mul3A_236 = arith.constant 200 : i32
      %mul3A_237 = arith.muli %add3A_230, %mul3A_236 : i32
      %add3A_238 = arith.addi %mul3A_2, %mul3A_237 : i32
      %dma_start3A_239 = tpu.memref_slice %arg2[%add3A_238] : memref<204800xi32, #tpu.memory_space<hbm>> -> memref<200xi32, #tpu.memory_space<hbm>>
      %dma_start3A_240 = tpu.memref_slice %arg2[%add3A_238] : memref<204800xi32, #tpu.memory_space<hbm>> -> memref<200xi32, #tpu.memory_space<hbm>>
      tpu.enqueue_dma source(%dma_start3A_240 : memref<200xi32, #tpu.memory_space<hbm>>) target(%arg10 : memref<200xi32, #tpu.memory_space<vmem>>) target_semaphore(%arg18 : memref<!tpu.dma_semaphore, #tpu.memory_space<semaphore_mem>>)
      %scan3A_241 = arith.constant 0 : i32
      %scan3A_242 = arith.constant 200 : i32
      %scan3A_243 = arith.addi %scan3A_241, %scan3A_242 : i32
      %scan3A_244 = arith.constant 1 : i32
      scf.for %scan3A_292 = %scan3A_241 to %scan3A_243 step %scan3A_244  : i32 {
        %mul3A_293 = arith.constant 1 : i32
        %mul3A_294 = arith.muli %scan3A_292, %mul3A_293 : i32
        %add3A_295 = arith.constant 0 : i32
        %add3A_296 = arith.addi %add3A_295, %mul3A_294 : i32
        %get3A = arith.index_cast %add3A_296 : i32 to index
        %get3A_297 = arith.constant 0 : index
        %get3A_298 = tpu.vector_load %arg6[%get3A, %get3A_297] {strides = array<i32>} : memref<200x128xf32, #tpu.memory_space<vmem>>, vector<1x16xf32>,
        %get3A_299 = vector.shape_cast %get3A_298 : vector<1x16xf32> to vector<16xf32>
        %swap3A = arith.index_cast %add3A_296 : i32 to index
        %swap3A_300 = arith.constant 0 : index
        %swap3A_301 = tpu.vector_load %arg14[%swap3A, %swap3A_300] {strides = array<i32>} : memref<200x128xf32, #tpu.memory_space<vmem>>, vector<1x16xf32>,
        %swap3A_302 = vector.shape_cast %swap3A_301 : vector<1x16xf32> to vector<16xf32>
        %swap3A_303 = vector.shape_cast %get3A_299 : vector<16xf32> to vector<1x16xf32>
        tpu.vector_store %arg14[%swap3A, %swap3A_300], %swap3A_303 {strides = array<i32>} : memref<200x128xf32, #tpu.memory_space<vmem>>, vector<1x16xf32>,
        %get3A_304 = arith.index_cast %add3A_296 : i32 to index
        %get3A_305 = arith.constant 16 : index
        %get3A_306 = tpu.vector_load %arg6[%get3A_304, %get3A_305] {strides = array<i32>} : memref<200x128xf32, #tpu.memory_space<vmem>>, vector<1x16xf32>,
        %get3A_307 = vector.shape_cast %get3A_306 : vector<1x16xf32> to vector<16xf32>
        %swap3A_308 = arith.index_cast %add3A_296 : i32 to index
        %swap3A_309 = arith.constant 16 : index
        %swap3A_310 = tpu.vector_load %arg14[%swap3A_308, %swap3A_309] {strides = array<i32>} : memref<200x128xf32, #tpu.memory_space<vmem>>, vector<1x16xf32>,
        %swap3A_311 = vector.shape_cast %swap3A_310 : vector<1x16xf32> to vector<16xf32>
        %swap3A_312 = vector.shape_cast %get3A_307 : vector<16xf32> to vector<1x16xf32>
        tpu.vector_store %arg14[%swap3A_308, %swap3A_309], %swap3A_312 {strides = array<i32>} : memref<200x128xf32, #tpu.memory_space<vmem>>, vector<1x16xf32>,
        %get3A_313 = arith.index_cast %add3A_296 : i32 to index
        %get3A_314 = arith.constant 32 : index
        %get3A_315 = tpu.vector_load %arg6[%get3A_313, %get3A_314] {strides = array<i32>} : memref<200x128xf32, #tpu.memory_space<vmem>>, vector<1x16xf32>,
        %get3A_316 = vector.shape_cast %get3A_315 : vector<1x16xf32> to vector<16xf32>
        %swap3A_317 = arith.index_cast %add3A_296 : i32 to index
        %swap3A_318 = arith.constant 32 : index
        %swap3A_319 = tpu.vector_load %arg14[%swap3A_317, %swap3A_318] {strides = array<i32>} : memref<200x128xf32, #tpu.memory_space<vmem>>, vector<1x16xf32>,
        %swap3A_320 = vector.shape_cast %swap3A_319 : vector<1x16xf32> to vector<16xf32>
        %swap3A_321 = vector.shape_cast %get3A_316 : vector<16xf32> to vector<1x16xf32>
        tpu.vector_store %arg14[%swap3A_317, %swap3A_318], %swap3A_321 {strides = array<i32>} : memref<200x128xf32, #tpu.memory_space<vmem>>, vector<1x16xf32>,
        %get3A_322 = arith.index_cast %add3A_296 : i32 to index
        %get3A_323 = arith.constant 48 : index
        %get3A_324 = tpu.vector_load %arg6[%get3A_322, %get3A_323] {strides = array<i32>} : memref<200x128xf32, #tpu.memory_space<vmem>>, vector<1x16xf32>,
        %get3A_325 = vector.shape_cast %get3A_324 : vector<1x16xf32> to vector<16xf32>
        %swap3A_326 = arith.index_cast %add3A_296 : i32 to index
        %swap3A_327 = arith.constant 48 : index
        %swap3A_328 = tpu.vector_load %arg14[%swap3A_326, %swap3A_327] {strides = array<i32>} : memref<200x128xf32, #tpu.memory_space<vmem>>, vector<1x16xf32>,
        %swap3A_329 = vector.shape_cast %swap3A_328 : vector<1x16xf32> to vector<16xf32>
        %swap3A_330 = vector.shape_cast %get3A_325 : vector<16xf32> to vector<1x16xf32>
        tpu.vector_store %arg14[%swap3A_326, %swap3A_327], %swap3A_330 {strides = array<i32>} : memref<200x128xf32, #tpu.memory_space<vmem>>, vector<1x16xf32>,
        %get3A_331 = arith.index_cast %add3A_296 : i32 to index
        %get3A_332 = arith.constant 64 : index
        %get3A_333 = tpu.vector_load %arg6[%get3A_331, %get3A_332] {strides = array<i32>} : memref<200x128xf32, #tpu.memory_space<vmem>>, vector<1x16xf32>,
        %get3A_334 = vector.shape_cast %get3A_333 : vector<1x16xf32> to vector<16xf32>
        %swap3A_335 = arith.index_cast %add3A_296 : i32 to index
        %swap3A_336 = arith.constant 64 : index
        %swap3A_337 = tpu.vector_load %arg14[%swap3A_335, %swap3A_336] {strides = array<i32>} : memref<200x128xf32, #tpu.memory_space<vmem>>, vector<1x16xf32>,
        %swap3A_338 = vector.shape_cast %swap3A_337 : vector<1x16xf32> to vector<16xf32>
        %swap3A_339 = vector.shape_cast %get3A_334 : vector<16xf32> to vector<1x16xf32>
        tpu.vector_store %arg14[%swap3A_335, %swap3A_336], %swap3A_339 {strides = array<i32>} : memref<200x128xf32, #tpu.memory_space<vmem>>, vector<1x16xf32>,
        %get3A_340 = arith.index_cast %add3A_296 : i32 to index
        %get3A_341 = arith.constant 80 : index
        %get3A_342 = tpu.vector_load %arg6[%get3A_340, %get3A_341] {strides = array<i32>} : memref<200x128xf32, #tpu.memory_space<vmem>>, vector<1x16xf32>,
        %get3A_343 = vector.shape_cast %get3A_342 : vector<1x16xf32> to vector<16xf32>
        %swap3A_344 = arith.index_cast %add3A_296 : i32 to index
        %swap3A_345 = arith.constant 80 : index
        %swap3A_346 = tpu.vector_load %arg14[%swap3A_344, %swap3A_345] {strides = array<i32>} : memref<200x128xf32, #tpu.memory_space<vmem>>, vector<1x16xf32>,
        %swap3A_347 = vector.shape_cast %swap3A_346 : vector<1x16xf32> to vector<16xf32>
        %swap3A_348 = vector.shape_cast %get3A_343 : vector<16xf32> to vector<1x16xf32>
        tpu.vector_store %arg14[%swap3A_344, %swap3A_345], %swap3A_348 {strides = array<i32>} : memref<200x128xf32, #tpu.memory_space<vmem>>, vector<1x16xf32>,
        %get3A_349 = arith.index_cast %add3A_296 : i32 to index
        %get3A_350 = arith.constant 96 : index
        %get3A_351 = tpu.vector_load %arg6[%get3A_349, %get3A_350] {strides = array<i32>} : memref<200x128xf32, #tpu.memory_space<vmem>>, vector<1x16xf32>,
        %get3A_352 = vector.shape_cast %get3A_351 : vector<1x16xf32> to vector<16xf32>
        %swap3A_353 = arith.index_cast %add3A_296 : i32 to index
        %swap3A_354 = arith.constant 96 : index
        %swap3A_355 = tpu.vector_load %arg14[%swap3A_353, %swap3A_354] {strides = array<i32>} : memref<200x128xf32, #tpu.memory_space<vmem>>, vector<1x16xf32>,
        %swap3A_356 = vector.shape_cast %swap3A_355 : vector<1x16xf32> to vector<16xf32>
        %swap3A_357 = vector.shape_cast %get3A_352 : vector<16xf32> to vector<1x16xf32>
        tpu.vector_store %arg14[%swap3A_353, %swap3A_354], %swap3A_357 {strides = array<i32>} : memref<200x128xf32, #tpu.memory_space<vmem>>, vector<1x16xf32>,
        %get3A_358 = arith.index_cast %add3A_296 : i32 to index
        %get3A_359 = arith.constant 112 : index
        %get3A_360 = tpu.vector_load %arg6[%get3A_358, %get3A_359] {strides = array<i32>} : memref<200x128xf32, #tpu.memory_space<vmem>>, vector<1x16xf32>,
        %get3A_361 = vector.shape_cast %get3A_360 : vector<1x16xf32> to vector<16xf32>
        %swap3A_362 = arith.index_cast %add3A_296 : i32 to index
        %swap3A_363 = arith.constant 112 : index
        %swap3A_364 = tpu.vector_load %arg14[%swap3A_362, %swap3A_363] {strides = array<i32>} : memref<200x128xf32, #tpu.memory_space<vmem>>, vector<1x16xf32>,
        %swap3A_365 = vector.shape_cast %swap3A_364 : vector<1x16xf32> to vector<16xf32>
        %swap3A_366 = vector.shape_cast %get3A_361 : vector<16xf32> to vector<1x16xf32>
        tpu.vector_store %arg14[%swap3A_362, %swap3A_363], %swap3A_366 {strides = array<i32>} : memref<200x128xf32, #tpu.memory_space<vmem>>, vector<1x16xf32>,
      }
      %scan3A_245 = arith.constant 200 : i32
      %mul3A_246 = arith.constant 200 : i32
      %mul3A_247 = arith.muli %add3A_230, %mul3A_246 : i32
      %add3A_248 = arith.addi %mul3A_2, %mul3A_247 : i32
      %dma_wait3A_249 = tpu.memref_slice %arg2[%add3A_248] : memref<204800xi32, #tpu.memory_space<hbm>> -> memref<200xi32, #tpu.memory_space<hbm>>
      %dma_wait3A_250 = tpu.memref_slice %arg2[%add3A_248] : memref<204800xi32, #tpu.memory_space<hbm>> -> memref<200xi32, #tpu.memory_space<hbm>>
      tpu.wait_dma2 semaphore(%arg18 : memref<!tpu.dma_semaphore, #tpu.memory_space<semaphore_mem>>) src(%dma_wait3A_250 : memref<200xi32, #tpu.memory_space<hbm>>) dst(%arg10 : memref<200xi32, #tpu.memory_space<vmem>>)
      %dma_start3A_251 = arith.constant 0 : i32
      %dma_start3A_252 = arith.constant 0 : i32
      %dma_start3A_253 = tpu.memref_slice %arg14[%dma_start3A_251, %dma_start3A_252] : memref<200x128xf32, #tpu.memory_space<vmem>> -> memref<128x128xf32, #tpu.memory_space<vmem>>
      %dma_start3A_254 = arith.constant 0 : i32
      %dma_start3A_255 = tpu.memref_slice %arg10[%dma_start3A_254] : memref<200xi32, #tpu.memory_space<vmem>> -> memref<128xi32, #tpu.memory_space<vmem>>
      %dma_start3A_256 = arith.constant 0 : i32
      %dma_start3A_257 = arith.constant 0 : i32
      %dma_start3A_258 = tpu.memref_slice %arg4[%dma_start3A_256, %dma_start3A_257] : memref<100000x128xf32, #tpu.memory_space<hbm>> -> memref<100000x128xf32, #tpu.memory_space<hbm>>
      tpu.enqueue_indirect_dma source(%dma_start3A_258 : memref<100000x128xf32, #tpu.memory_space<hbm>>) target(%dma_start3A_253 : memref<128x128xf32, #tpu.memory_space<vmem>>) offsets(%dma_start3A_255 : memref<128xi32, #tpu.memory_space<vmem>>) semaphore(%arg25 : memref<!tpu.dma_semaphore, #tpu.memory_space<semaphore_mem>>) {add = true}
      %dma_start3A_259 = arith.constant 128 : i32
      %dma_start3A_260 = arith.constant 0 : i32
      %dma_start3A_261 = tpu.memref_slice %arg14[%dma_start3A_259, %dma_start3A_260] : memref<200x128xf32, #tpu.memory_space<vmem>> -> memref<72x128xf32, #tpu.memory_space<vmem>>
      %dma_start3A_262 = arith.constant 128 : i32
      %dma_start3A_263 = tpu.memref_slice %arg10[%dma_start3A_262] : memref<200xi32, #tpu.memory_space<vmem>> -> memref<72xi32, #tpu.memory_space<vmem>>
      %dma_start3A_264 = arith.constant 0 : i32
      %dma_start3A_265 = arith.constant 0 : i32
      %dma_start3A_266 = tpu.memref_slice %arg4[%dma_start3A_264, %dma_start3A_265] : memref<100000x128xf32, #tpu.memory_space<hbm>> -> memref<100000x128xf32, #tpu.memory_space<hbm>>
      tpu.enqueue_indirect_dma source(%dma_start3A_266 : memref<100000x128xf32, #tpu.memory_space<hbm>>) target(%dma_start3A_261 : memref<72x128xf32, #tpu.memory_space<vmem>>) offsets(%dma_start3A_263 : memref<72xi32, #tpu.memory_space<vmem>>) semaphore(%arg26 : memref<!tpu.dma_semaphore, #tpu.memory_space<semaphore_mem>>) {add = true}
      %sub3A_267 = arith.constant 1 : i32
      %sub3A_268 = arith.subi %add3A_230, %sub3A_267 : i32
      %dma_wait3A_269 = arith.constant 0 : i32
      %dma_wait3A_270 = arith.constant 0 : i32
      %dma_wait3A_271 = tpu.memref_slice %arg13[%dma_wait3A_269, %dma_wait3A_270] : memref<200x128xf32, #tpu.memory_space<vmem>> -> memref<128x128xf32, #tpu.memory_space<vmem>>
      %dma_wait3A_272 = arith.constant 0 : i32
      %dma_wait3A_273 = tpu.memref_slice %arg9[%dma_wait3A_272] : memref<200xi32, #tpu.memory_space<vmem>> -> memref<128xi32, #tpu.memory_space<vmem>>
      %dma_wait3A_274 = arith.constant 0 : i32
      %dma_wait3A_275 = arith.constant 0 : i32
      %dma_wait3A_276 = tpu.memref_slice %arg4[%dma_wait3A_274, %dma_wait3A_275] : memref<100000x128xf32, #tpu.memory_space<hbm>> -> memref<100000x128xf32, #tpu.memory_space<hbm>>
      tpu.wait_indirect_dma semaphore(%arg23 : memref<!tpu.dma_semaphore, #tpu.memory_space<semaphore_mem>>) src(%dma_wait3A_276 : memref<100000x128xf32, #tpu.memory_space<hbm>>) dst(%dma_wait3A_271 : memref<128x128xf32, #tpu.memory_space<vmem>>)
      %dma_wait3A_277 = arith.constant 128 : i32
      %dma_wait3A_278 = arith.constant 0 : i32
      %dma_wait3A_279 = tpu.memref_slice %arg13[%dma_wait3A_277, %dma_wait3A_278] : memref<200x128xf32, #tpu.memory_space<vmem>> -> memref<72x128xf32, #tpu.memory_space<vmem>>
      %dma_wait3A_280 = arith.constant 128 : i32
      %dma_wait3A_281 = tpu.memref_slice %arg9[%dma_wait3A_280] : memref<200xi32, #tpu.memory_space<vmem>> -> memref<72xi32, #tpu.memory_space<vmem>>
      %dma_wait3A_282 = arith.constant 0 : i32
      %dma_wait3A_283 = arith.constant 0 : i32
      %dma_wait3A_284 = tpu.memref_slice %arg4[%dma_wait3A_282, %dma_wait3A_283] : memref<100000x128xf32, #tpu.memory_space<hbm>> -> memref<100000x128xf32, #tpu.memory_space<hbm>>
      tpu.wait_indirect_dma semaphore(%arg24 : memref<!tpu.dma_semaphore, #tpu.memory_space<semaphore_mem>>) src(%dma_wait3A_284 : memref<100000x128xf32, #tpu.memory_space<hbm>>) dst(%dma_wait3A_279 : memref<72x128xf32, #tpu.memory_space<vmem>>)
      %mul3A_285 = arith.constant 200 : i32
      %mul3A_286 = arith.muli %sub3A_268, %mul3A_285 : i32
      %add3A_287 = arith.addi %mul3A_2, %mul3A_286 : i32
      %dma_start3A_288 = arith.constant 0 : i32
      %dma_start3A_289 = tpu.memref_slice %arg5[%add3A_287, %dma_start3A_288] : memref<204800x128xf32, #tpu.memory_space<hbm>> -> memref<200x128xf32, #tpu.memory_space<hbm>>
      %dma_start3A_290 = arith.constant 0 : i32
      %dma_start3A_291 = tpu.memref_slice %arg5[%add3A_287, %dma_start3A_290] : memref<204800x128xf32, #tpu.memory_space<hbm>> -> memref<200x128xf32, #tpu.memory_space<hbm>>
      tpu.enqueue_dma source(%arg13 : memref<200x128xf32, #tpu.memory_space<vmem>>) target(%dma_start3A_291 : memref<200x128xf32, #tpu.memory_space<hbm>>) target_semaphore(%arg29 : memref<!tpu.dma_semaphore, #tpu.memory_space<semaphore_mem>>)
    }
    %scan3A_6 = arith.constant 8 : i32
    %dma_wait3A = arith.constant 0 : i32
    %dma_wait3A_7 = arith.constant 0 : i32
    %dma_wait3A_8 = tpu.memref_slice %arg14[%dma_wait3A, %dma_wait3A_7] : memref<200x128xf32, #tpu.memory_space<vmem>> -> memref<128x128xf32, #tpu.memory_space<vmem>>
    %dma_wait3A_9 = arith.constant 0 : i32
    %dma_wait3A_10 = tpu.memref_slice %arg10[%dma_wait3A_9] : memref<200xi32, #tpu.memory_space<vmem>> -> memref<128xi32, #tpu.memory_space<vmem>>
    %dma_wait3A_11 = arith.constant 0 : i32
    %dma_wait3A_12 = arith.constant 0 : i32
    %dma_wait3A_13 = tpu.memref_slice %arg4[%dma_wait3A_11, %dma_wait3A_12] : memref<100000x128xf32, #tpu.memory_space<hbm>> -> memref<100000x128xf32, #tpu.memory_space<hbm>>
    tpu.wait_indirect_dma semaphore(%arg25 : memref<!tpu.dma_semaphore, #tpu.memory_space<semaphore_mem>>) src(%dma_wait3A_13 : memref<100000x128xf32, #tpu.memory_space<hbm>>) dst(%dma_wait3A_8 : memref<128x128xf32, #tpu.memory_space<vmem>>)
    %dma_wait3A_14 = arith.constant 128 : i32
    %dma_wait3A_15 = arith.constant 0 : i32
    %dma_wait3A_16 = tpu.memref_slice %arg14[%dma_wait3A_14, %dma_wait3A_15] : memref<200x128xf32, #tpu.memory_space<vmem>> -> memref<72x128xf32, #tpu.memory_space<vmem>>
    %dma_wait3A_17 = arith.constant 128 : i32
    %dma_wait3A_18 = tpu.memref_slice %arg10[%dma_wait3A_17] : memref<200xi32, #tpu.memory_space<vmem>> -> memref<72xi32, #tpu.memory_space<vmem>>
    %dma_wait3A_19 = arith.constant 0 : i32
    %dma_wait3A_20 = arith.constant 0 : i32
    %dma_wait3A_21 = tpu.memref_slice %arg4[%dma_wait3A_19, %dma_wait3A_20] : memref<100000x128xf32, #tpu.memory_space<hbm>> -> memref<100000x128xf32, #tpu.memory_space<hbm>>
    tpu.wait_indirect_dma semaphore(%arg26 : memref<!tpu.dma_semaphore, #tpu.memory_space<semaphore_mem>>) src(%dma_wait3A_21 : memref<100000x128xf32, #tpu.memory_space<hbm>>) dst(%dma_wait3A_16 : memref<72x128xf32, #tpu.memory_space<vmem>>)
    %add3A_22 = arith.constant 6200 : i32
    %add3A_23 = arith.addi %mul3A_2, %add3A_22 : i32
    %dma_start3A = arith.constant 0 : i32
    %dma_start3A_24 = tpu.memref_slice %arg5[%add3A_23, %dma_start3A] : memref<204800x128xf32, #tpu.memory_space<hbm>> -> memref<200x128xf32, #tpu.memory_space<hbm>>
    %dma_start3A_25 = arith.constant 0 : i32
    %dma_start3A_26 = tpu.memref_slice %arg5[%add3A_23, %dma_start3A_25] : memref<204800x128xf32, #tpu.memory_space<hbm>> -> memref<200x128xf32, #tpu.memory_space<hbm>>
    tpu.enqueue_dma source(%arg14 : memref<200x128xf32, #tpu.memory_space<vmem>>) target(%dma_start3A_26 : memref<200x128xf32, #tpu.memory_space<hbm>>) target_semaphore(%arg30 : memref<!tpu.dma_semaphore, #tpu.memory_space<semaphore_mem>>)
    %add3A_27 = arith.constant 5600 : i32
    %add3A_28 = arith.addi %mul3A_2, %add3A_27 : i32
    %dma_wait3A_29 = arith.constant 0 : i32
    %dma_wait3A_30 = tpu.memref_slice %arg5[%add3A_28, %dma_wait3A_29] : memref<204800x128xf32, #tpu.memory_space<hbm>> -> memref<200x128xf32, #tpu.memory_space<hbm>>
    %dma_wait3A_31 = arith.constant 0 : i32
    %dma_wait3A_32 = tpu.memref_slice %arg5[%add3A_28, %dma_wait3A_31] : memref<204800x128xf32, #tpu.memory_space<hbm>> -> memref<200x128xf32, #tpu.memory_space<hbm>>
    tpu.wait_dma2 semaphore(%arg27 : memref<!tpu.dma_semaphore, #tpu.memory_space<semaphore_mem>>) src(%arg11 : memref<200x128xf32, #tpu.memory_space<vmem>>) dst(%dma_wait3A_32 : memref<200x128xf32, #tpu.memory_space<hbm>>)
    %add3A_33 = arith.constant 5800 : i32
    %add3A_34 = arith.addi %mul3A_2, %add3A_33 : i32
    %dma_wait3A_35 = arith.constant 0 : i32
    %dma_wait3A_36 = tpu.memref_slice %arg5[%add3A_34, %dma_wait3A_35] : memref<204800x128xf32, #tpu.memory_space<hbm>> -> memref<200x128xf32, #tpu.memory_space<hbm>>
    %dma_wait3A_37 = arith.constant 0 : i32
    %dma_wait3A_38 = tpu.memref_slice %arg5[%add3A_34, %dma_wait3A_37] : memref<204800x128xf32, #tpu.memory_space<hbm>> -> memref<200x128xf32, #tpu.memory_space<hbm>>
    tpu.wait_dma2 semaphore(%arg28 : memref<!tpu.dma_semaphore, #tpu.memory_space<semaphore_mem>>) src(%arg12 : memref<200x128xf32, #tpu.memory_space<vmem>>) dst(%dma_wait3A_38 : memref<200x128xf32, #tpu.memory_space<hbm>>)
    %add3A_39 = arith.constant 6000 : i32
    %add3A_40 = arith.addi %mul3A_2, %add3A_39 : i32
    %dma_wait3A_41 = arith.constant 0 : i32
    %dma_wait3A_42 = tpu.memref_slice %arg5[%add3A_40, %dma_wait3A_41] : memref<204800x128xf32, #tpu.memory_space<hbm>> -> memref<200x128xf32, #tpu.memory_space<hbm>>
    %dma_wait3A_43 = arith.constant 0 : i32
    %dma_wait3A_44 = tpu.memref_slice %arg5[%add3A_40, %dma_wait3A_43] : memref<204800x128xf32, #tpu.memory_space<hbm>> -> memref<200x128xf32, #tpu.memory_space<hbm>>
    tpu.wait_dma2 semaphore(%arg29 : memref<!tpu.dma_semaphore, #tpu.memory_space<semaphore_mem>>) src(%arg13 : memref<200x128xf32, #tpu.memory_space<vmem>>) dst(%dma_wait3A_44 : memref<200x128xf32, #tpu.memory_space<hbm>>)
    %add3A_45 = arith.constant 6200 : i32
    %add3A_46 = arith.addi %mul3A_2, %add3A_45 : i32
    %dma_wait3A_47 = arith.constant 0 : i32
    %dma_wait3A_48 = tpu.memref_slice %arg5[%add3A_46, %dma_wait3A_47] : memref<204800x128xf32, #tpu.memory_space<hbm>> -> memref<200x128xf32, #tpu.memory_space<hbm>>
    %dma_wait3A_49 = arith.constant 0 : i32
    %dma_wait3A_50 = tpu.memref_slice %arg5[%add3A_46, %dma_wait3A_49] : memref<204800x128xf32, #tpu.memory_space<hbm>> -> memref<200x128xf32, #tpu.memory_space<hbm>>
    tpu.wait_dma2 semaphore(%arg30 : memref<!tpu.dma_semaphore, #tpu.memory_space<semaphore_mem>>) src(%arg14 : memref<200x128xf32, #tpu.memory_space<vmem>>) dst(%dma_wait3A_50 : memref<200x128xf32, #tpu.memory_space<hbm>>)
    return
  }
}

</mosaic_0001>

<sc_bundles>
// kernel: _embed_fixed.3.cloned.1.call-start
scs
__scs_entry_jumppad:
0x0: {  	(pc) =	sbr.rel $0x88, $3  }
0x1: {  	(tag) =	ssettag $0x0;
	lr =	simm.s32 $0x1  }
0x2: {  	[smem:$0x3F9F] =	sst lr;
	_ =	strace $0xD0000000  }
0x3: {  	_ = 	snop  }
0x4: {  	_ = 	snop  }
0x5: {  	_ = 	snop  }
0x6: {  	_ = 	snop  }
0x7: {  	_ = 	snop  }
__scs_overlays_trampoline_lowered:
0x8: {  	[smem:$0x3FAE] =	sst s0  }
0x9: {  	[smem:$0x3FAF] =	sst s1  }
0xa: {  	[smem:$0x3FB0] =	sst s2  }
0xb: {  	[smem:$0x3FB1] =	sst s3  }
0xc: {  	[smem:$0x3FB2] =	sst s4  }
0xd: {  	[smem:$0x3FB3] =	sst s5  }
0xe: {  	[smem:$0x3FB4] =	sst s6  }
0xf: {  	[smem:$0x3FB5] =	sst s7  }
0x10: {  	[smem:$0x3FB6] =	sst s8  }
0x11: {  	[smem:$0x3FB7] =	sst s9;
	s0 =	simm.s32 @!p0 $0x0  }
0x12: {  	s1 =	sld [smem:$0x3F9D];
	s0 =	simm.s32 @p0 $0x1  }
0x13: {  	[smem:$0x3FB8] =	sst s0;
	s0 =	simm.s32 @!p1 $0x0  }
0x14: {  	s2 =	sld [smem:$0x3F9C];
	s0 =	simm.s32 @p1 $0x1  }
0x15: {  	[smem:$0x3FB9] =	sst s0;
	s0 =	simm.s32 @!p2 $0x0  }
0x16: {  	s3 =	sld [smem:$0x3FDB];
	s0 =	simm.s32 @p2 $0x1  }
0x17: {  	s4 =	simm.s32 $0x1BF5;
	[smem:$0x3FBB] =	sst s0  }
0x18: {  	s0 =	sld [smem:$0x3F9E];
	_ =	swait.ge [sflag:s4], $0x0  }
0x19: {  	s7 =	sld [smem:$0x3F9F]  }
0x1a: {  	s8 =	sadd.s32 $0xFFFFE003, lr  }
0x1b: {  	s9 =	sadd.s32 $0xFFFFFEF7, lr;
	s5 =	simm.s32 $0xFFFFFFFF;
	p2 =	slt.u32 s8, $0xFFFFF086  }
0x1c: {  	p1 =	slt.u32 s9, $0xF7A;
	s5 =	simm.s32 @!p2 $0x0  }
0x1d: {  	s5 =	simm.s32 @p1 $0x1;
	p0 =	seq.s32 s7, s2  }
0x1e: {  	s7 =	smul.u32 @!p0 $0xF7A, s2;
	p2 =	seq.s32 @!p0 s5, $0x0  }
0x1f: {  	s9 =	smul.u32 $0xF7A, s1;
	s8 =	simm.s32 @!p0 $0x1BF5;
	p2 =	por !p2, p0  }
0x20: {  	[sflag:s8] =	ssyncset.s32 @!p0 $0xFFFFF086;
	s6 =	sadd.s32 @!p0 s3, s7;
	s7 =	simm.s32 @!p0 $0x108  }
0x21: {  	s3 =	sadd.s32 s3, s9;
	s6 =	sadd.s32 @!p0 $0x88, s6;
	s7 =	simm.s32 @p2 $0x1082  }
0x22: {  	[simem:s7], [sflag:s8] =	dma.local @!p0 [hbm:s6], $0xF7A  }
0x23: {  	s9 =	sor.u32 $0xD0000000, s2;
	s6 =	simm.s32 $0x108;
	_ =	swait.ge @!p0 [sflag:s8], $0x0  }
0x24: {  	s3 =	sadd.s32 $0x88, s3;
	s6 =	simm.s32 @!p1 $0x1082;
	[sflag:s4] =	ssyncset.s32 $0xFFFFF086  }
0x25: {  	[simem:s6], [sflag:s4] =	dma.local [hbm:s3], $0xF7A  }
0x26: {  	[smem:$0x3F9F] =	sst s1;
	(tag) =	ssettag s2;
	_ =	strace s9  }
0x27: {  	s1 =	sld [smem:$0x3FAF]  }
0x28: {  	s2 =	sld [smem:$0x3FB0]  }
0x29: {  	s4 =	sld [smem:$0x3FB2]  }
0x2a: {  	p0 =	seq.s32 s5, $0x0;
	s5 =	sld [smem:$0x3FB3]  }
0x2b: {  	s6 =	sld [smem:$0x3FB4]  }
0x2c: {  	s7 =	sld [smem:$0x3FB5]  }
0x2d: {  	s3 =	simm.s32 $0x108;
	s8 =	sld [smem:$0x3FB6]  }
0x2e: {  	s3 =	simm.s32 @!p0 $0x1082;
	s9 =	sld [smem:$0x3FB7]  }
0x2f: {  	lr =	sadd.s32 s0, s3;
	s0 =	sld [smem:$0x3FAE]  }
0x30: {  	s3 =	sld [smem:$0x3FB1]  }
0x31: {  	[smem:$0x3FBA] =	sst s10  }
0x32: {  	s10 =	sld [smem:$0x3FB8];
	_ =	sdelay $0x3  }
0x33: {  	p0 =	seq.s32 s10, $0x1;
	s10 =	sld [smem:$0x3FBA];
	_ =	sdelay $0x3  }
0x34: {  	[smem:$0x3FBA] =	sst s10  }
0x35: {  	s10 =	sld [smem:$0x3FB9];
	_ =	sdelay $0x3  }
0x36: {  	p1 =	seq.s32 s10, $0x1;
	s10 =	sld [smem:$0x3FBA];
	_ =	sdelay $0x3  }
0x37: {  	[smem:$0x3FBA] =	sst s10  }
0x38: {  	s10 =	sld [smem:$0x3FBB]  }
0x39: {  	_ = 	snop;
	(pc) =	sbr.ind lr, $3  }
0x3a: {  	_ = 	snop  }
0x3b: {  	_ = 	snop  }
0x3c: {  	p2 =	seq.s32 s10, $0x1;
	s10 =	sld [smem:$0x3FBA]  }
0x3d: {  	_ =	shalt  }
0x3e: {  	_ =	shalt  }
0x3f: {  	_ =	shalt  }
0x40: {  	_ =	shalt  }
0x41: {  	_ =	shalt  }
0x42: {  	_ =	shalt  }
0x43: {  	_ =	shalt  }
0x44: {  	_ =	shalt  }
0x45: {  	_ =	shalt  }
0x46: {  	_ =	shalt  }
0x47: {  	_ =	shalt  }
0x48: {  	_ =	shalt  }
0x49: {  	_ =	shalt  }
0x4a: {  	_ =	shalt  }
0x4b: {  	_ =	shalt  }
0x4c: {  	_ =	shalt  }
0x4d: {  	_ =	shalt  }
0x4e: {  	_ =	shalt  }
0x4f: {  	_ =	shalt  }
0x50: {  	_ =	shalt  }
0x51: {  	_ =	shalt  }
0x52: {  	_ =	shalt  }
0x53: {  	_ =	shalt  }
0x54: {  	_ =	shalt  }
0x55: {  	_ =	shalt  }
0x56: {  	_ =	shalt  }
0x57: {  	_ =	shalt  }
0x58: {  	_ =	shalt  }
0x59: {  	_ =	shalt  }
0x5a: {  	_ =	shalt  }
0x5b: {  	_ =	shalt  }
0x5c: {  	_ =	shalt  }
0x5d: {  	_ =	shalt  }
0x5e: {  	_ =	shalt  }
0x5f: {  	_ =	shalt  }
0x60: {  	_ =	shalt  }
0x61: {  	_ =	shalt  }
0x62: {  	_ =	shalt  }
0x63: {  	_ =	shalt  }
0x64: {  	_ =	shalt  }
0x65: {  	_ =	shalt  }
0x66: {  	_ =	shalt  }
0x67: {  	_ =	shalt  }
0x68: {  	_ =	shalt  }
0x69: {  	_ =	shalt  }
0x6a: {  	_ =	shalt  }
0x6b: {  	_ =	shalt  }
0x6c: {  	_ =	shalt  }
0x6d: {  	_ =	shalt  }
0x6e: {  	_ =	shalt  }
0x6f: {  	_ =	shalt  }
0x70: {  	_ =	shalt  }
0x71: {  	_ =	shalt  }
0x72: {  	_ =	shalt  }
0x73: {  	_ =	shalt  }
0x74: {  	_ =	shalt  }
0x75: {  	_ =	shalt  }
0x76: {  	_ =	shalt  }
0x77: {  	_ =	shalt  }
0x78: {  	_ =	shalt  }
0x79: {  	_ =	shalt  }
0x7a: {  	_ =	shalt  }
0x7b: {  	_ =	shalt  }
0x7c: {  	_ =	shalt  }
0x7d: {  	_ =	shalt  }
0x7e: {  	_ =	shalt  }
0x7f: {  	_ =	shalt  }
0x80: {  	_ =	shalt  }
0x81: {  	_ =	shalt  }
0x82: {  	_ =	shalt  }
0x83: {  	_ =	shalt  }
0x84: {  	_ =	shalt  }
0x85: {  	_ =	shalt  }
0x86: {  	_ =	shalt  }
0x87: {  	_ =	shalt  }
.Lfunc_end0:
.L_simem_size_0:
called_computation_lowered:
.L_overlay_start_0:
0x88: {  	s2 =	sld [smem:$0x3FD9]  }
0x89: {  	s3 =	sld [smem:$0x3FFE];
	_ =	sdelay $0x1  }
0x8a: {  	s1 =	srdreg.scid  }
0x8b: {  	s0 =	sand.u32 $0x1, s1  }
0x8c: {  	s17 =	sshll.u32 s0, $0xA;
	s2 =	sadd.s32 s3, s2  }
0x8d: {  	s2 =	sadd.s32 s2, s17  }
0x8e: {  	[smem:$0x3FC6] =	sst s2  }
0x8f: {  	_ = 	snop  }
0x90: {  	s2 =	sld [smem:$0x3FC9]  }
0x91: {  	s18 =	sld [smem:$0x3FC8]  }
0x92: {  	s4 =	sld [smem:$0x3FD0];
	(tm) =	ssettm $0x1  }
0x93: {  	s5 =	sld [smem:$0x3FFB];
	_ =	sdelay $0x3  }
0x94: {  	_ =	strace s5  }
0x95: {  	s5 =	sld [smem:$0x3FFC];
	_ =	sdelay $0x3  }
0x96: {  	_ =	strace s5  }
0x97: {  	s5 =	sld [smem:$0x3FFD];
	_ =	sdelay $0x3  }
0x98: {  	_ =	strace s5  }
0x99: {  	_ =	strace $0x8FFFFFFF  }
0x9a: {  	s19 =	sld [smem:$0x3FDB];
	_ =	sdelay $0x1  }
0x9b: {  	s6 =	simm.s32 $_scs_section_size  }
0x9c: {  	s7 =	simm.s32 $_size__tile_overlayer_lowered;
	s8 =	simm.s32 $_tile_overlayer_lowered  }
0x9d: {  	s22 =	simm.s32 $0x1BFF;
	s21 =	sshll.u32 s8, $0x1;
	s5 =	sadd.s32 s6, s19  }
0x9e: {  	s9 =	simm.s32 $0x0;
	s20 =	sshll.u32 s7, $0x1;
	s7 =	sadd.s32 s21, s5  }
0x9f: {  	[timem:s9], [sflag:s22] =	dma.local [hbm:s7], s20  }
0xa0: {  	_ =	swait.ge [sflag:s22], s20  }
0xa1: {  	s6 =	ssub.s32 $0x0, s20;
	[sflag:s22] =	ssyncset.done $0x0  }
0xa2: {  	[sflag:s22] =	ssyncadd.s32 s6;
	_ =	sdelay $0x1  }
0xa3: {  	s23 =	simm.s32 $0x1B8B  }
0xa4: {  	_ =	swait.ge [sflag:s23], $0x1  }
0xa5: {  	[sflag:s23] =	ssyncset.done $0x0  }
0xa6: {  	s25 =	simm.s32 $0x1B8E;
	s24 =	sld [smem:$0x3FFE];
	[sflag:s23] =	ssyncadd.s32 $0xFFFFFFFF  }
0xa7: {  	s26 =	simm.s32 $execute0_lowered;
	[smem:$0x3FD2] =	sst s25  }
0xa8: {  	s7 =	sshll.u32 s26, $0x1;
	_ =	strace $0x80000046;
	[dreg:$0x1] =	wrdreg $0xFFFFFFFF  }
0xa9: {  	s28 =	simm.s32 $_size_execute0_lowered;
	s5 =	sadd.s32 s5, s7;
	[dreg:$0x0] =	wrdreg $0x0  }
0xaa: {  	s7 =	sshll.u32 s28, $0x1;
	[dreg:$0x2] =	wrdreg s5  }
0xab: {  	[dreg:$0x3] =	wrdreg s7  }
0xac: {  	[dreg:$0x4] =	wrdreg $0xC0  }
0xad: {  	_ =	task [dreg:s9], $0x5FFFF  }
0xae: {  	[dreg:$0x1] =	wrdreg $0xFFFFFFFF  }
0xaf: {  	[dreg:$0x0] =	wrdreg $0x60  }
0xb0: {  	[dreg:$0x2] =	wrdreg s2  }
0xb1: {  	[dreg:$0x3] =	wrdreg s24  }
0xb2: {  	[dreg:$0x4] =	wrdreg s18  }
0xb3: {  	[dreg:$0x5] =	wrdreg s4  }
0xb4: {  	[dreg:$0x6] =	wrdreg $0x9  }
0xb5: {  	_ =	task.clear_ibuf [dreg:s9], $0x7FFFF;
	_ =	strace $0x90000046  }
0xb6: {  	s29 =	simm.s32 $0x9;
	_ =	strace $0x80000048  }
0xb7: {  	_ =	swait.ge [sflag:s29], $0x1  }
0xb8: {  	[sflag:s29] =	ssyncadd.s32 $0xFFFFFFFF  }
0xb9: {  	_ =	strace $0x90000048  }
0xba: {  	_ =	sfence  }
0xbb: {  	s30 =	sld [smem:$0x0];
	_ =	sdelay $0x2  }
0xbc: {  	s31 =	sshll.u32 s1, $0xD;
	s1 =	sshrl.u32 s1, $0x2  }
0xbd: {  	s3 =	sand.u32 $0x4000, s31;
	s1 =	sadd.s32 s1, s30  }
0xbe: {  	s0 =	sor.u32 s3, s0;
	s1 =	sshll.u32 s1, $0x11  }
0xbf: {  	s0 =	sor.u32 s1, s0  }
0xc0: {  	s0 =	sadd.s32 $0x8F2B, s0  }
0xc1: {  	[sflag:s0] =	ssyncadd.remote.s32 $0x1  }
0xc2: {  	_ =	sfence.sel $0xFFFF  }
0xc3: {  	[dreg:$0x0] =	wrdreg $0xFFFFFFFF;
	(pc) =	sbr.abs _section_cstart, $3  }
0xc4: {  	[dreg:$0x1] =	wrdreg $0xFFFFFFFF  }
0xc5: {  	_ =	task.clear_ibuf [dreg:s9], $0x2FFFF;
	_ =	strace $0x9FFFFFFF  }
0xc6: {  	(tm) =	ssettm $0x7FFFFFFF  }
0xc7: {  	_ =	shalt  }
tec
execute0_lowered:
.L_overlay_start_1:
0x0: {  	(tag) =	ssettag $0x1  }
0x1: {  	s1 =	rddreg [dreg:$0x0]  }
0x2: {  	s0 =	rddreg [dreg:$0x1];
	s2 =	srdreg.scid  }
0x3: {  	s4 =	stileid.u32;
	s3 =	rddreg [dreg:$0x2];
	s15 =	simm.s32 $0x6400  }
0x4: {  	s16 =	simm.s32 $0x1;
	s17 =	simm.s32 $0x80;
	s18 =	simm.s32 $0x6800  }
0x5: {  	s19 =	simm.s32 $0x48;
	s28 =	simm.s32 $0x5;
	s29 =	simm.s32 $0x6  }
0x6: {  	s30 =	simm.s32 $0x6600;
	s31 =	simm.s32 $0x3;
	s12 =	simm.s32 $0x7  }
0x7: {  	s13 =	simm.s32 $0x8;
	s14 =	simm.s32 $0x6700;
	s20 =	simm.s32 $0x4  }
0x8: {  	s9 =	simm.s32 $0x0;
	s2 =	sand.u32 $0x1, s2;
	s5 =	sshll.u32 s4, $0x1  }
0x9: {  	s4 =	rddreg [dreg:$0x3];
	s0 =	sadd.s32 $0x400, s0;
	s6 =	sor.u32 s2, s5  }
0xa: {  	s5 =	simm.s32 $0x0;
	s2 =	ssub.s32 $0x2, s2;
	s7 =	smul.u32 $0x1900, s6  }
0xb: {  	[smem:$0x7FF] =	sst s5;
	s6 =	smul.u32 $0xC8000, s6;
	s21 =	sshrl.u32 s2, $0x1  }
0xc: {  	_ =	strace $0x80000047;
	[dreg:$0x5] =	wrdreg s0;
	s22 =	sadd.s32 $0xFFFFFF38, s7  }
0xd: {  	s0 =	ssub.s32 s2, s21;
	s24 =	sor.u32 $0xC8, s7;
	[dreg:$0x6] =	wrdreg s22  }
0xe: {  	s23 =	sshrl.u32 s6, $0x3;
	s25 =	sadd.s32 $0x190, s7;
	[dreg:$0x7] =	wrdreg s24  }
0xf: {  	s11 =	smov.u32 s7;
	s26 =	sadd.s32 $0x258, s7;
	[dreg:$0x8] =	wrdreg s25  }
0x10: {  	s0 =	smax.u32 s0, $0x1;
	s7 =	simm.s32 $0xA;
	[dreg:$0x9] =	wrdreg s26  }
0x11: {  	s2 =	sadd.s32 s4, s23;
	[dreg:$0xb] =	wrdreg s0;
	s22 =	simm.s32 $0x6500  }
0x12: {  	s23 =	simm.s32 $0x2;
	s24 =	simm.s32 $0xCC00;
	s2 =	sadd.s32 $0x18380, s2  }
0x13: {  	s0 =	simm.s32 $0x9;
	[dreg:$0xa] =	wrdreg s2;
	s2 =	simm.s32 $0x13000  }
.LBB2_1:
0x14: {  	[dreg:$0xc] =	wrdreg s9  }
0x15: {  	s6 =	rddreg [dreg:$0x5];
	s26 =	simm.s32 $0x11  }
0x16: {  	[tilespmem:s5], [sflag:$0x11] =	stream.linear.gather [hbm4b:s6+s5], $0x6400, $0x38;
	[tilespmem:$0x1F800] =	vst v63  }
0x17: {  	_ =	swait.ge [sflag:s26], $0x6400  }
0x18: {  	[sflag:s26] =	ssyncset.done $0x0  }
0x19: {  	s25 =	simm.s32 $0x0;
	[sflag:s26] =	ssyncadd.s32 $0xFFFF9C00  }
.LBB2_2:
0x1a: {  	p0 =	seq.s32 s25, $0x0;
	s26 =	smul.u32 $0x320, s25  }
0x1b: {  	s6 =	simm.s32 @!p0 $0xD  }
0x1c: {  	_ =	swait.ge @!p0 [sflag:s6], $0x6400;
	s21 =	sadd.s32 s11, s26  }
0x1d: {  	s10 =	simm.s32 $0x0;
	[sflag:s6] =	ssyncset.done @!p0 $0x0;
	s8 =	sshrl.u32 s21, $0x3  }
0x1e: {  	[sflag:s6] =	ssyncadd.s32 @!p0 $0xFFFF9C00;
	s9 =	sadd.s32 s1, s8;
	s6 =	simm.s32 $0x0  }
0x1f: {  	[tilespmem:s15], [sflag:$0x1] =	stream.linear.gather [hbm4b:s9+s10], $0xC8, $0x38;
	[tilespmem:$0x1F800] =	vst v63  }
0x20: {  	v3 =	vld [tilespmem:s6+$0x70]  }
0x21: {  	v4 =	vld [tilespmem:s6+$0x0]  }
0x22: {  	v5 =	vld [tilespmem:s6+$0x10]  }
0x23: {  	v2 =	vld [tilespmem:s6+$0x20]  }
0x24: {  	v0 =	vld [tilespmem:s6+$0x30]  }
0x25: {  	v1 =	vld [tilespmem:s6+$0x40];
	[tilespmem:s6+$0x6870] =	vst v3  }
0x26: {  	[tilespmem:s6+$0x6800] =	vst v4;
	v3 =	vld [tilespmem:s6+$0x50]  }
0x27: {  	s8 =	simm.s32 $0x80;
	s9 =	simm.s32 $0x400;
	[tilespmem:s6+$0x6810] =	vst v5;
	v4 =	vld [tilespmem:s6+$0x60]  }
.LBB2_3:
0x28: {  	p1 =	sne.s32 s9, $0x18E00;
	v5 =	vld [tilespmem:s8+$0x70];
	[tilespmem:s6+$0x6820] =	vst v2  }
0x29: {  	v6 =	vld [tilespmem:s8+$0x0];
	[tilespmem:s6+$0x6830] =	vst v0  }
0x2a: {  	v7 =	vld [tilespmem:s8+$0x10];
	[tilespmem:s6+$0x6840] =	vst v1  }
.Ltmp0:
0x2b: {  	v2 =	vld [tilespmem:s8+$0x20];
	[tilespmem:s6+$0x6850] =	vst v3;
	(pc) =	sbr.rel @p1 .LBB2_3-.Ltmp0, $4  }
0x2c: {  	v0 =	vld [tilespmem:s8+$0x30];
	[tilespmem:s6+$0x6860] =	vst v4;
	s6 =	smov.u32 s8  }
0x2d: {  	v1 =	vld [tilespmem:s6+$0x40];
	[tilespmem:s6+$0x6870] =	vst v5  }
0x2e: {  	[tilespmem:s6+$0x6800] =	vst v6;
	v3 =	vld [tilespmem:s6+$0x50]  }
0x2f: {  	s8 =	sshra.s32 s9, $0x2;
	s9 =	sadd.s32 $0x200, s9;
	[tilespmem:s6+$0x6810] =	vst v7;
	v4 =	vld [tilespmem:s6+$0x60]  }
0x30: {  	v5 =	vld [tilespmem:s8+$0x70];
	[tilespmem:s6+$0x6820] =	vst v2  }
0x31: {  	v2 =	vld [tilespmem:s8+$0x0];
	[tilespmem:s6+$0x6830] =	vst v0  }
0x32: {  	v0 =	vld [tilespmem:s8+$0x10];
	[tilespmem:s6+$0x6840] =	vst v1  }
0x33: {  	v1 =	vld [tilespmem:s8+$0x20];
	[tilespmem:s6+$0x6850] =	vst v3  }
0x34: {  	v3 =	vld [tilespmem:s8+$0x30];
	[tilespmem:s6+$0x6860] =	vst v4  }
0x35: {  	v4 =	vld [tilespmem:s8+$0x40];
	[tilespmem:s8+$0x6870] =	vst v5  }
0x36: {  	[tilespmem:s8+$0x6800] =	vst v2;
	v2 =	vld [tilespmem:s8+$0x50]  }
0x37: {  	[tilespmem:s8+$0x6810] =	vst v0;
	v0 =	vld [tilespmem:s8+$0x60]  }
0x38: {  	[tilespmem:s8+$0x6820] =	vst v1  }
0x39: {  	[tilespmem:s8+$0x6830] =	vst v3  }
0x3a: {  	[tilespmem:s8+$0x6840] =	vst v4  }
0x3b: {  	[tilespmem:s8+$0x6850] =	vst v2  }
0x3c: {  	[tilespmem:s8+$0x6860] =	vst v0  }
0x3d: {  	_ =	swait.ge [sflag:s16], $0xC8  }
0x3e: {  	[sflag:s16] =	ssyncset.done $0x0  }
0x3f: {  	[sflag:s16] =	ssyncadd.s32 $0xFFFFFF38  }
0x40: {  	[tilespmem:s18], [sflag:$0x5] =	stream.indirect.gather.add.f32 [hbm:s3], $0x80, s15, s17, $0xb8;
	[tilespmem:$0x1F800] =	vst v63  }
0x41: {  	s9 =	simm.s32 $0x6480;
	s10 =	simm.s32 $0xA800;
	s6 =	simm.s32 @!p0 $0xB  }
0x42: {  	[tilespmem:s10], [sflag:$0x6] =	stream.indirect.gather.add.f32 [hbm:s3], $0x80, s9, s19, $0xb8;
	[tilespmem:$0x1F800] =	vst v63  }
0x43: {  	_ =	swait.ge @!p0 [sflag:s6], $0x4000  }
0x44: {  	[sflag:s6] =	ssyncset.done @!p0 $0x0  }
0x45: {  	[sflag:s6] =	ssyncadd.s32 @!p0 $0xFFFFC000;
	s6 =	simm.s32 @!p0 $0xC  }
0x46: {  	_ =	swait.ge @!p0 [sflag:s6], $0x2400  }
0x47: {  	s8 =	rddreg [dreg:$0x6]  }
0x48: {  	[sflag:s6] =	ssyncset.done @!p0 $0x0;
	s8 =	sadd.s32 @!p0 s26, s8  }
0x49: {  	[sflag:s6] =	ssyncadd.s32 @!p0 $0xFFFFDC00;
	s6 =	sshll.u32 @!p0 s8, $0x4  }
0x4a: {  	s9 =	simm.s32 @!p0 $0x19400;
	s8 =	simm.s32 @!p0 $0x0;
	s6 =	sadd.s32 @!p0 s4, s6  }
0x4b: {  	[hbm4b:s6+s8] =	stream.linear.scatter @!p0 [tilespmem:s9], [sflag:$0x10], $0x6400, $0x38;
	[tilespmem:$0x1F800] =	vst v63  }
0x4c: {  	s8 =	simm.s32 @!p0 $0xE  }
0x4d: {  	_ =	swait.ge @!p0 [sflag:s8], $0x6400  }
0x4e: {  	s9 =	rddreg [dreg:$0x7]  }
0x4f: {  	[sflag:s8] =	ssyncset.done @!p0 $0x0;
	s6 =	sadd.s32 s26, s9  }
0x50: {  	[sflag:s8] =	ssyncadd.s32 @!p0 $0xFFFF9C00;
	s10 =	sshrl.u32 s6, $0x3  }
0x51: {  	s8 =	simm.s32 $0x0;
	s9 =	sadd.s32 s1, s10;
	s10 =	simm.s32 $0x0  }
0x52: {  	[tilespmem:s22], [sflag:$0x2] =	stream.linear.gather [hbm4b:s9+s10], $0xC8, $0x38;
	[tilespmem:$0x1F800] =	vst v63  }
0x53: {  	v3 =	vld [tilespmem:s8+$0x70]  }
0x54: {  	v4 =	vld [tilespmem:s8+$0x0]  }
0x55: {  	v5 =	vld [tilespmem:s8+$0x10]  }
0x56: {  	v2 =	vld [tilespmem:s8+$0x20]  }
0x57: {  	v0 =	vld [tilespmem:s8+$0x30]  }
0x58: {  	v1 =	vld [tilespmem:s8+$0x40];
	[tilespmem:s8+$0xCC70] =	vst v3  }
0x59: {  	[tilespmem:s8+$0xCC00] =	vst v4;
	v3 =	vld [tilespmem:s8+$0x50]  }
0x5a: {  	s9 =	simm.s32 $0x80;
	s10 =	simm.s32 $0x400;
	[tilespmem:s8+$0xCC10] =	vst v5;
	v4 =	vld [tilespmem:s8+$0x60]  }
.LBB2_5:
0x5b: {  	p1 =	sne.s32 s10, $0x18E00;
	v5 =	vld [tilespmem:s9+$0x70];
	[tilespmem:s8+$0xCC20] =	vst v2  }
0x5c: {  	v6 =	vld [tilespmem:s9+$0x0];
	[tilespmem:s8+$0xCC30] =	vst v0  }
0x5d: {  	v7 =	vld [tilespmem:s9+$0x10];
	[tilespmem:s8+$0xCC40] =	vst v1  }
.Ltmp1:
0x5e: {  	v2 =	vld [tilespmem:s9+$0x20];
	[tilespmem:s8+$0xCC50] =	vst v3;
	(pc) =	sbr.rel @p1 .LBB2_5-.Ltmp1, $4  }
0x5f: {  	v0 =	vld [tilespmem:s9+$0x30];
	[tilespmem:s8+$0xCC60] =	vst v4;
	s8 =	smov.u32 s9  }
0x60: {  	v1 =	vld [tilespmem:s8+$0x40];
	[tilespmem:s8+$0xCC70] =	vst v5  }
0x61: {  	[tilespmem:s8+$0xCC00] =	vst v6;
	v3 =	vld [tilespmem:s8+$0x50]  }
0x62: {  	s9 =	sshra.s32 s10, $0x2;
	s10 =	sadd.s32 $0x200, s10;
	[tilespmem:s8+$0xCC10] =	vst v7;
	v4 =	vld [tilespmem:s8+$0x60]  }
0x63: {  	v5 =	vld [tilespmem:s9+$0x70];
	[tilespmem:s8+$0xCC20] =	vst v2  }
0x64: {  	v2 =	vld [tilespmem:s9+$0x0];
	[tilespmem:s8+$0xCC30] =	vst v0  }
0x65: {  	v0 =	vld [tilespmem:s9+$0x10];
	[tilespmem:s8+$0xCC40] =	vst v1  }
0x66: {  	v1 =	vld [tilespmem:s9+$0x20];
	[tilespmem:s8+$0xCC50] =	vst v3  }
0x67: {  	v3 =	vld [tilespmem:s9+$0x30];
	[tilespmem:s8+$0xCC60] =	vst v4  }
0x68: {  	v4 =	vld [tilespmem:s9+$0x40];
	[tilespmem:s9+$0xCC70] =	vst v5  }
0x69: {  	[tilespmem:s9+$0xCC00] =	vst v2;
	v2 =	vld [tilespmem:s9+$0x50]  }
0x6a: {  	[tilespmem:s9+$0xCC10] =	vst v0;
	v0 =	vld [tilespmem:s9+$0x60]  }
0x6b: {  	[tilespmem:s9+$0xCC20] =	vst v1  }
0x6c: {  	[tilespmem:s9+$0xCC30] =	vst v3  }
0x6d: {  	[tilespmem:s9+$0xCC40] =	vst v4  }
0x6e: {  	[tilespmem:s9+$0xCC50] =	vst v2  }
0x6f: {  	[tilespmem:s9+$0xCC60] =	vst v0  }
0x70: {  	_ =	swait.ge [sflag:s23], $0xC8  }
0x71: {  	[sflag:s23] =	ssyncset.done $0x0  }
0x72: {  	[sflag:s23] =	ssyncadd.s32 $0xFFFFFF38  }
0x73: {  	[tilespmem:s24], [sflag:$0x7] =	stream.indirect.gather.add.f32 [hbm:s3], $0x80, s22, s17, $0xb8;
	[tilespmem:$0x1F800] =	vst v63  }
0x74: {  	s10 =	simm.s32 $0x10C00;
	s9 =	simm.s32 $0x6580  }
0x75: {  	[tilespmem:s10], [sflag:$0x8] =	stream.indirect.gather.add.f32 [hbm:s3], $0x80, s9, s19, $0xb8;
	[tilespmem:$0x1F800] =	vst v63  }
0x76: {  	_ =	swait.ge [sflag:s28], $0x4000  }
0x77: {  	[sflag:s28] =	ssyncset.done $0x0  }
0x78: {  	[sflag:s28] =	ssyncadd.s32 $0xFFFFC000  }
0x79: {  	_ =	swait.ge [sflag:s29], $0x2400  }
0x7a: {  	s10 =	sshll.u32 s21, $0x4;
	[sflag:s29] =	ssyncset.done $0x0  }
0x7b: {  	s8 =	sadd.s32 s4, s10;
	[sflag:s29] =	ssyncadd.s32 $0xFFFFDC00  }
0x7c: {  	[hbm4b:s8+s5] =	stream.linear.scatter [tilespmem:s18], [sflag:$0xD], $0x6400, $0x38;
	[tilespmem:$0x1F800] =	vst v63  }
0x7d: {  	s8 =	simm.s32 @!p0 $0xF  }
0x7e: {  	_ =	swait.ge @!p0 [sflag:s8], $0x6400  }
0x7f: {  	s21 =	rddreg [dreg:$0x8]  }
0x80: {  	s21 =	sadd.s32 s26, s21  }
0x81: {  	s10 =	simm.s32 $0x0;
	[sflag:s8] =	ssyncset.done @!p0 $0x0;
	s9 =	sshrl.u32 s21, $0x3  }
0x82: {  	[sflag:s8] =	ssyncadd.s32 @!p0 $0xFFFF9C00;
	s8 =	simm.s32 $0x0;
	s9 =	sadd.s32 s1, s9  }
0x83: {  	[tilespmem:s30], [sflag:$0x3] =	stream.linear.gather [hbm4b:s9+s10], $0xC8, $0x38;
	[tilespmem:$0x1F800] =	vst v63  }
0x84: {  	v3 =	vld [tilespmem:s8+$0x70]  }
0x85: {  	v4 =	vld [tilespmem:s8+$0x0]  }
0x86: {  	v5 =	vld [tilespmem:s8+$0x10]  }
0x87: {  	v2 =	vld [tilespmem:s8+$0x20]  }
0x88: {  	v0 =	vld [tilespmem:s8+$0x30]  }
0x89: {  	v1 =	vld [tilespmem:s8+$0x40];
	[tilespmem:s8+$0x13070] =	vst v3  }
0x8a: {  	[tilespmem:s8+$0x13000] =	vst v4;
	v3 =	vld [tilespmem:s8+$0x50]  }
0x8b: {  	s9 =	simm.s32 $0x80;
	s10 =	simm.s32 $0x400;
	[tilespmem:s8+$0x13010] =	vst v5;
	v4 =	vld [tilespmem:s8+$0x60]  }
.LBB2_7:
0x8c: {  	p1 =	sne.s32 s10, $0x18E00;
	v5 =	vld [tilespmem:s9+$0x70];
	[tilespmem:s8+$0x13020] =	vst v2  }
0x8d: {  	v6 =	vld [tilespmem:s9+$0x0];
	[tilespmem:s8+$0x13030] =	vst v0  }
0x8e: {  	v7 =	vld [tilespmem:s9+$0x10];
	[tilespmem:s8+$0x13040] =	vst v1  }
.Ltmp2:
0x8f: {  	v2 =	vld [tilespmem:s9+$0x20];
	[tilespmem:s8+$0x13050] =	vst v3;
	(pc) =	sbr.rel @p1 .LBB2_7-.Ltmp2, $4  }
0x90: {  	v0 =	vld [tilespmem:s9+$0x30];
	[tilespmem:s8+$0x13060] =	vst v4;
	s8 =	smov.u32 s9  }
0x91: {  	v1 =	vld [tilespmem:s8+$0x40];
	[tilespmem:s8+$0x13070] =	vst v5  }
0x92: {  	[tilespmem:s8+$0x13000] =	vst v6;
	v3 =	vld [tilespmem:s8+$0x50]  }
0x93: {  	s9 =	sshra.s32 s10, $0x2;
	s10 =	sadd.s32 $0x200, s10;
	[tilespmem:s8+$0x13010] =	vst v7;
	v4 =	vld [tilespmem:s8+$0x60]  }
0x94: {  	v5 =	vld [tilespmem:s9+$0x70];
	[tilespmem:s8+$0x13020] =	vst v2  }
0x95: {  	v2 =	vld [tilespmem:s9+$0x0];
	[tilespmem:s8+$0x13030] =	vst v0  }
0x96: {  	v0 =	vld [tilespmem:s9+$0x10];
	[tilespmem:s8+$0x13040] =	vst v1  }
0x97: {  	v1 =	vld [tilespmem:s9+$0x20];
	[tilespmem:s8+$0x13050] =	vst v3  }
0x98: {  	v3 =	vld [tilespmem:s9+$0x30];
	[tilespmem:s8+$0x13060] =	vst v4  }
0x99: {  	v4 =	vld [tilespmem:s9+$0x40];
	[tilespmem:s9+$0x13070] =	vst v5  }
0x9a: {  	[tilespmem:s9+$0x13000] =	vst v2;
	v2 =	vld [tilespmem:s9+$0x50]  }
0x9b: {  	[tilespmem:s9+$0x13010] =	vst v0;
	v0 =	vld [tilespmem:s9+$0x60]  }
0x9c: {  	[tilespmem:s9+$0x13020] =	vst v1  }
0x9d: {  	[tilespmem:s9+$0x13030] =	vst v3  }
0x9e: {  	[tilespmem:s9+$0x13040] =	vst v4  }
0x9f: {  	[tilespmem:s9+$0x13050] =	vst v2  }
0xa0: {  	[tilespmem:s9+$0x13060] =	vst v0  }
0xa1: {  	_ =	swait.ge [sflag:s31], $0xC8  }
0xa2: {  	[sflag:s31] =	ssyncset.done $0x0  }
0xa3: {  	[sflag:s31] =	ssyncadd.s32 $0xFFFFFF38  }
0xa4: {  	[tilespmem:s2], [sflag:$0x9] =	stream.indirect.gather.add.f32 [hbm:s3], $0x80, s30, s17, $0xb8;
	[tilespmem:$0x1F800] =	vst v63  }
0xa5: {  	s10 =	simm.s32 $0x17000;
	s9 =	simm.s32 $0x6680  }
0xa6: {  	[tilespmem:s10], [sflag:$0xA] =	stream.indirect.gather.add.f32 [hbm:s3], $0x80, s9, s19, $0xb8;
	[tilespmem:$0x1F800] =	vst v63  }
0xa7: {  	_ =	swait.ge [sflag:s12], $0x4000  }
0xa8: {  	[sflag:s12] =	ssyncset.done $0x0  }
0xa9: {  	[sflag:s12] =	ssyncadd.s32 $0xFFFFC000  }
0xaa: {  	_ =	swait.ge [sflag:s13], $0x2400  }
0xab: {  	s6 =	sshll.u32 s6, $0x4;
	[sflag:s13] =	ssyncset.done $0x0  }
0xac: {  	s6 =	sadd.s32 s4, s6;
	[sflag:s13] =	ssyncadd.s32 $0xFFFFDC00  }
0xad: {  	[hbm4b:s6+s5] =	stream.linear.scatter [tilespmem:s24], [sflag:$0xE], $0x6400, $0x38;
	[tilespmem:$0x1F800] =	vst v63  }
0xae: {  	s6 =	simm.s32 @!p0 $0x10  }
0xaf: {  	_ =	swait.ge @!p0 [sflag:s6], $0x6400  }
0xb0: {  	s9 =	rddreg [dreg:$0x9]  }
0xb1: {  	[sflag:s6] =	ssyncset.done @!p0 $0x0;
	s8 =	sadd.s32 s26, s9  }
0xb2: {  	[sflag:s6] =	ssyncadd.s32 @!p0 $0xFFFF9C00;
	s8 =	sshrl.u32 s8, $0x3  }
0xb3: {  	s26 =	simm.s32 $0x0;
	s6 =	simm.s32 $0x0;
	s10 =	sadd.s32 s1, s8  }
0xb4: {  	[tilespmem:s14], [sflag:$0x4] =	stream.linear.gather [hbm4b:s10+s26], $0xC8, $0x38;
	[tilespmem:$0x1F800] =	vst v63  }
0xb5: {  	v3 =	vld [tilespmem:s6+$0x70]  }
0xb6: {  	v4 =	vld [tilespmem:s6+$0x0]  }
0xb7: {  	v5 =	vld [tilespmem:s6+$0x10]  }
0xb8: {  	v2 =	vld [tilespmem:s6+$0x20]  }
0xb9: {  	v0 =	vld [tilespmem:s6+$0x30]  }
0xba: {  	v1 =	vld [tilespmem:s6+$0x40];
	[tilespmem:s6+$0x19470] =	vst v3  }
0xbb: {  	[tilespmem:s6+$0x19400] =	vst v4;
	v3 =	vld [tilespmem:s6+$0x50]  }
0xbc: {  	s9 =	simm.s32 $0x400;
	s8 =	simm.s32 $0x80;
	[tilespmem:s6+$0x19410] =	vst v5;
	v4 =	vld [tilespmem:s6+$0x60]  }
.LBB2_9:
0xbd: {  	p0 =	sne.s32 s9, $0x18E00;
	v5 =	vld [tilespmem:s8+$0x70];
	[tilespmem:s6+$0x19420] =	vst v2  }
0xbe: {  	v6 =	vld [tilespmem:s8+$0x0];
	[tilespmem:s6+$0x19430] =	vst v0  }
0xbf: {  	v7 =	vld [tilespmem:s8+$0x10];
	[tilespmem:s6+$0x19440] =	vst v1  }
.Ltmp3:
0xc0: {  	v2 =	vld [tilespmem:s8+$0x20];
	[tilespmem:s6+$0x19450] =	vst v3;
	(pc) =	sbr.rel @p0 .LBB2_9-.Ltmp3, $4  }
0xc1: {  	v0 =	vld [tilespmem:s8+$0x30];
	[tilespmem:s6+$0x19460] =	vst v4;
	s6 =	smov.u32 s8  }
0xc2: {  	v1 =	vld [tilespmem:s6+$0x40];
	[tilespmem:s6+$0x19470] =	vst v5  }
0xc3: {  	[tilespmem:s6+$0x19400] =	vst v6;
	v3 =	vld [tilespmem:s6+$0x50]  }
0xc4: {  	s8 =	sshra.s32 s9, $0x2;
	s9 =	sadd.s32 $0x200, s9;
	[tilespmem:s6+$0x19410] =	vst v7;
	v4 =	vld [tilespmem:s6+$0x60]  }
0xc5: {  	v5 =	vld [tilespmem:s8+$0x70];
	[tilespmem:s6+$0x19420] =	vst v2  }
0xc6: {  	v2 =	vld [tilespmem:s8+$0x0];
	[tilespmem:s6+$0x19430] =	vst v0  }
0xc7: {  	v0 =	vld [tilespmem:s8+$0x10];
	[tilespmem:s6+$0x19440] =	vst v1  }
0xc8: {  	v1 =	vld [tilespmem:s8+$0x20];
	[tilespmem:s6+$0x19450] =	vst v3  }
0xc9: {  	v3 =	vld [tilespmem:s8+$0x30];
	[tilespmem:s6+$0x19460] =	vst v4  }
0xca: {  	v4 =	vld [tilespmem:s8+$0x40];
	[tilespmem:s8+$0x19470] =	vst v5  }
0xcb: {  	v62 =	vld [tilespmem:s8+$0x50];
	[tilespmem:s8+$0x19400] =	vst v2  }
0xcc: {  	v63 =	vld [tilespmem:s8+$0x60];
	[tilespmem:s8+$0x19410] =	vst v0  }
0xcd: {  	[tilespmem:s8+$0x19420] =	vst v1  }
0xce: {  	[tilespmem:s8+$0x19430] =	vst v3  }
0xcf: {  	[tilespmem:s8+$0x19440] =	vst v4  }
0xd0: {  	[tilespmem:s8+$0x19450] =	vst v62  }
0xd1: {  	[tilespmem:s8+$0x19460] =	vst v63  }
0xd2: {  	_ =	swait.ge [sflag:s20], $0xC8  }
0xd3: {  	[sflag:s20] =	ssyncset.done $0x0  }
0xd4: {  	s8 =	simm.s32 $0x19400;
	[sflag:s20] =	ssyncadd.s32 $0xFFFFFF38  }
0xd5: {  	[tilespmem:s8], [sflag:$0xB] =	stream.indirect.gather.add.f32 [hbm:s3], $0x80, s14, s17, $0xb8;
	[tilespmem:$0x1F800] =	vst v63  }
0xd6: {  	s9 =	simm.s32 $0x6780;
	s10 =	simm.s32 $0x1D400  }
0xd7: {  	[tilespmem:s10], [sflag:$0xC] =	stream.indirect.gather.add.f32 [hbm:s3], $0x80, s9, s19, $0xb8;
	[tilespmem:$0x1F800] =	vst v63  }
0xd8: {  	s25 =	sadd.s32 $0x1, s25;
	_ =	swait.ge [sflag:s0], $0x4000  }
0xd9: {  	p0 =	sne.s32 s25, $0x8;
	[sflag:s0] =	ssyncset.done $0x0  }
.Ltmp4:
0xda: {  	[sflag:s0] =	ssyncadd.s32 $0xFFFFC000;
	(pc) =	sbr.rel @p0 .LBB2_2-.Ltmp4, $4  }
0xdb: {  	_ =	swait.ge [sflag:s7], $0x2400  }
0xdc: {  	s26 =	sshll.u32 s21, $0x4;
	[sflag:s7] =	ssyncset.done $0x0  }
0xdd: {  	s6 =	sadd.s32 s4, s26;
	[sflag:s7] =	ssyncadd.s32 $0xFFFFDC00  }
0xde: {  	[hbm4b:s6+s5] =	stream.linear.scatter [tilespmem:s2], [sflag:$0xF], $0x6400, $0x38;
	[tilespmem:$0x1F800] =	vst v63  }
0xdf: {  	s6 =	simm.s32 $0xB  }
0xe0: {  	_ =	swait.ge [sflag:s6], $0x4000  }
0xe1: {  	[sflag:s6] =	ssyncset.done $0x0  }
0xe2: {  	s25 =	simm.s32 $0xC;
	[sflag:s6] =	ssyncadd.s32 $0xFFFFC000  }
0xe3: {  	_ =	swait.ge [sflag:s25], $0x2400  }
0xe4: {  	s8 =	simm.s32 $0x19400;
	[sflag:s25] =	ssyncset.done $0x0  }
0xe5: {  	s9 =	simm.s32 $0xD;
	s26 =	rddreg [dreg:$0xa];
	[sflag:s25] =	ssyncadd.s32 $0xFFFFDC00  }
0xe6: {  	[hbm4b:s26+s5] =	stream.linear.scatter [tilespmem:s8], [sflag:$0x10], $0x6400, $0x38;
	[tilespmem:$0x1F800] =	vst v63  }
0xe7: {  	_ =	swait.ge [sflag:s9], $0x6400  }
0xe8: {  	[sflag:s9] =	ssyncset.done $0x0  }
0xe9: {  	s10 =	simm.s32 $0xE;
	[sflag:s9] =	ssyncadd.s32 $0xFFFF9C00  }
0xea: {  	_ =	swait.ge [sflag:s10], $0x6400  }
0xeb: {  	[sflag:s10] =	ssyncset.done $0x0  }
0xec: {  	s21 =	simm.s32 $0xF;
	[sflag:s10] =	ssyncadd.s32 $0xFFFF9C00  }
0xed: {  	_ =	swait.ge [sflag:s21], $0x6400  }
0xee: {  	[sflag:s21] =	ssyncset.done $0x0  }
0xef: {  	s25 =	simm.s32 $0x10;
	[sflag:s21] =	ssyncadd.s32 $0xFFFF9C00  }
0xf0: {  	_ =	swait.ge [sflag:s25], $0x6400  }
0xf1: {  	s9 =	rddreg [dreg:$0xc]  }
0xf2: {  	s26 =	rddreg [dreg:$0xb];
	s9 =	sadd.s32 $0x1, s9  }
0xf3: {  	p0 =	sne.s32 s9, s26  }
.Ltmp5:
0xf4: {  	_ = 	snop;
	(pc) =	sbr.rel @p0 .LBB2_1-.Ltmp5, $3  }
0xf5: {  	_ =	sdelay $0x1  }
0xf6: {  	[sflag:s25] =	ssyncset.done $0x0  }
0xf7: {  	[sflag:s25] =	ssyncadd.s32 $0xFFFF9C00  }
0xf8: {  	_ =	sfence.sel $0x180000  }
0xf9: {  	[bflag:$0x0] =	sbarrier.arrive $0xFFFF  }
0xfa: {  	_ =	strace $0x90000047  }
0xfb: {  	s0 =	stileid.u32;
	[bflag:$0x2] =	sbarrier.arrive $0xFFFF  }
0xfc: {  	p0 =	sne.s32 s0, $0x0;
	s0 =	rddreg [dreg:$0x4]  }
0xfd: {  	s0 =	sadd.s32 @!p0 $0x100000, s0  }
0xfe: {  	[sflag:s0] =	ssyncadd.tile.s32 @!p0 $0x1;
	_ =	shalt  }
.Lfunc_end2:
_tile_overlayer_lowered:
.L_overlay_start_2:
0xff: {  	(tag) =	ssettag $0x2  }
0x100: {  	s0 =	rddreg [dreg:$0x0];
	s2 =	stileid.u32  }
0x101: {  	s1 =	rddreg [dreg:$0x1];
	p0 =	sne.s32 s2, $0x0  }
0x102: {  	s3 =	rddreg [dreg:$0x2];
	[bflag:$0x3] =	sbarrier.arrive $0xFFFF;
	s2 =	simm.s32 @!p0 $0x1C11  }
0x103: {  	[timem:s3], [sflag:s2] =	dma.local @!p0 [hbm:s0], s1  }
0x104: {  	s0 =	simm.s32 @!p0 $0x11  }
0x105: {  	_ =	swait.ge @!p0 [sflag:s0], s1  }
0x106: {  	s1 =	ssub.s32 @!p0 $0x0, s1;
	[sflag:s0] =	ssyncset.done @!p0 $0x0  }
0x107: {  	[sflag:s0] =	ssyncadd.s32 @!p0 s1  }
0x108: {  	[bflag:$0x3] =	sbarrier.arrive $0xFFFF  }
0x109: {  	_ =	shalt  }

</sc_bundles>
